<compile_context>
chip_gen: v7x
topology: tpu7x:2x2x1
jax: 0.10.2.dev20260603
libtpu: 0.0.44.dev20260713+nightly
codegen_flags: <defaults>
</compile_context>

<pallas_src>
import functools

import jax
import jax.numpy as jnp
from jax import lax
from jax.experimental import pallas as pl
from jax.experimental.pallas import tpu as pltpu
from jax.experimental.pallas import tpu_sc as plsc

_H = 512
_TEMP = 256.0
_B = 4
_S = 2048
_C = 512
_BS = 512
_NS = _S // _BS
_L = 16
_NCHUNK = _S // _L



def _sc_body(tgt_hbm, out_hbm, tgt_v, c0_v, d0_v, c1_v, d1_v):
    cid = lax.axis_index("c")
    sid = lax.axis_index("s")
    wid = sid * 2 + cid

    @pl.when(wid < _B)
    def _():
        b = wid
        pltpu.sync_copy(tgt_hbm.at[b], tgt_v)

        lanes = lax.broadcasted_iota(jnp.int32, (_L,), 0)
        zeros_i = lanes * 0
        one = jnp.int32(1)
        zero = jnp.int32(0)
        lane0 = jnp.maximum(one - lanes, zero).astype(jnp.float32)
        shifts = [
            (jnp.minimum(lanes + sh, _L - 1),
             jnp.minimum(jnp.maximum(jnp.int32(_L - sh) - lanes, zero),
                         one).astype(jnp.float32))
            for sh in (1, 2, 4, 8)
        ]
        grp = lax.shift_right_logical(lanes, 2)
        idx_t = lax.shift_left(jnp.bitwise_and(lanes, 3), 2)
        gmasks = [
            jnp.minimum(jnp.maximum(one - (grp - r) * (grp - r), zero),
                        one).astype(jnp.float32)
            for r in range(4)
        ]

        def suffix_sum(u):
            ss = u
            for idx, msk in shifts:
                ss = ss + msk * ss.at[idx].get(mode="promise_in_bounds")
            return ss

        def deinterleave(regs, off):
            out = jnp.zeros((_L,), jnp.float32)
            for r in range(4):
                g = regs[r].at[idx_t + off].get(mode="promise_in_bounds")
                out = out + gmasks[r] * g
            return out

        def step(k, carry):
            carry0, carry1 = carry
            i = _NCHUNK - 1 - k
            base = i * (_L * 4)
            regs = [tgt_v[pl.ds(base + r * _L, _L)] for r in range(4)]
            tv = deinterleave(regs, 0)
            pv = deinterleave(regs, 3)
            a0 = 1.0 - pv
            a1 = pv
            eneg = jnp.exp(tv * (-1.0 / _TEMP))
            epos = 1.0 / eneg
            u0 = a0 * eneg
            u1 = a1 * eneg
            ss0 = suffix_sum(u0)
            ss1 = suffix_sum(u1)
            rc0 = (ss0 - u0) + carry0
            rc1 = (ss1 - u1) + carry1
            q0 = a0 + epos * rc0
            q1 = a1 + epos * rc1
            first = lane0 * jnp.minimum(jnp.maximum(1 - i, 0), 1).astype(jnp.float32)
            q0 = q0 + first * (a0 - q0)
            q1 = q1 + first * (a1 - q1)
            env0 = jnp.exp(-q0)
            env1 = jnp.exp(-q1)
            c0 = a0 / (1.0 + (_C - 1.0) * env0)
            c1 = a1 / (1.0 + (_C - 1.0) * env1)
            sl = pl.ds(i * _L, _L)
            c0_v[sl] = c0
            d0_v[sl] = c0 * env0
            c1_v[sl] = c1
            d1_v[sl] = c1 * env1
            return (carry0 + ss0.at[zeros_i].get(mode="promise_in_bounds"),
                    carry1 + ss1.at[zeros_i].get(mode="promise_in_bounds"))

        zv = jnp.zeros((_L,), jnp.float32)
        lax.fori_loop(0, _NCHUNK, step, (zv, zv))
        pltpu.sync_copy(c0_v, out_hbm.at[0, b])
        pltpu.sync_copy(d0_v, out_hbm.at[1, b])
        pltpu.sync_copy(c1_v, out_hbm.at[2, b])
        pltpu.sync_copy(d1_v, out_hbm.at[3, b])


def _sc_coeffs(target):
    mesh = plsc.VectorSubcoreMesh(core_axis_name="c", subcore_axis_name="s")
    f = functools.partial(
        pl.kernel,
        out_type=jax.ShapeDtypeStruct((4, _B, _S), jnp.float32),
        mesh=mesh,
        scratch_types=[
            pltpu.VMEM((_S * 4,), jnp.float32),
            pltpu.VMEM((_S,), jnp.float32),
            pltpu.VMEM((_S,), jnp.float32),
            pltpu.VMEM((_S,), jnp.float32),
            pltpu.VMEM((_S,), jnp.float32),
        ],
    )(_sc_body)
    return f(target.reshape(_B, _S * 4))



def _stats_body(pred_ref, lp0_ref, sr0_ref, lp1_ref, sr1_ref):
    x = pred_ref[0]

    def stats(c):
        xc = x[:, c * _C:(c + 1) * _C]
        lse = jnp.log(jnp.sum(jnp.exp(xc), axis=1, keepdims=True))
        sm = jnp.sum(xc, axis=1, keepdims=True)
        f = xc[:, 0:1]
        return f - lse, (sm - f) - (_C - 1.0) * lse

    lp_h0, sr_h0 = stats(0)
    lp_h1, sr_h1 = stats(1)
    lp_w0, sr_w0 = stats(2)
    lp_w1, sr_w1 = stats(3)

    lp0_ref[...] = jnp.reshape(lp_h0 + lp_w0, (1, _BS, 1))
    sr0_ref[...] = jnp.reshape(sr_h0 + sr_w0, (1, _BS, 1))
    lp1_ref[...] = jnp.reshape(lp_h1 + lp_w1, (1, _BS, 1))
    sr1_ref[...] = jnp.reshape(sr_h1 + sr_w1, (1, _BS, 1))


def _combine_body(lp0_ref, sr0_ref, lp1_ref, sr1_ref, cf_ref, out_ref):
    acc = jnp.zeros((1, 1), jnp.float32)
    for r, st_ref in ((0, lp0_ref), (1, sr0_ref), (2, lp1_ref), (3, sr1_ref)):
        for b in range(_B):
            cf = cf_ref[r, b:b + 1, :]
            st = st_ref[b]
            acc += jax.lax.dot(cf, st, precision=jax.lax.Precision.DEFAULT)
    out_ref[...] = acc * (-1.0 / (_B * _S))


def kernel(pred, target):
    svec = jax.ShapeDtypeStruct((_B, _S, 1), jnp.float32)
    svec_spec = pl.BlockSpec((1, _BS, 1), lambda b, i: (b, i, 0))
    lp0, sr0, lp1, sr1 = pl.pallas_call(
        _stats_body,
        grid=(_B, _NS),
        in_specs=[pl.BlockSpec((1, _BS, 4 * _C), lambda b, i: (b, i, 0))],
        out_specs=[svec_spec] * 4,
        out_shape=[svec] * 4,
        compiler_params=pltpu.CompilerParams(
            dimension_semantics=("arbitrary", "arbitrary"),
        ),
    )(pred)
    coeffs = _sc_coeffs(target)
    out = pl.pallas_call(
        _combine_body,
        in_specs=[pl.BlockSpec((_B, _S, 1), lambda: (0, 0, 0))] * 4
        + [pl.BlockSpec((4, _B, _S), lambda: (0, 0, 0))],
        out_specs=pl.BlockSpec((1, 1), lambda: (0, 0)),
        out_shape=jax.ShapeDtypeStruct((1, 1), jnp.float32),
    )(lp0, sr0, lp1, sr1, coeffs)
    return out[0, 0]

# --- scband reference (transcript-rebuilt; emitter-appended) ---
"""Pipeline reference for scband-time-decay-loss-72395968741464 (READ-ONLY COPY).

The authoritative reference and input builder live on the scoring server;
editing this copy changes nothing except your own understanding.
"""

import jax, jax.numpy as jnp
import numpy as np

H = 512
W = 512
TEMP = 256.0


def setup_inputs(seed: int = 0) -> dict:
    key = jax.random.key(seed)
    k1, k2 = jax.random.split(key)
    pred = jax.random.normal(k1, (4, 2048, 2 * H + 2 * W), dtype=jnp.float32)
    target = jax.random.uniform(k2, (4, 2048, 4), dtype=jnp.float32)
    return {"pred": pred, "target": target}


def _decay_scan(t, dec):
    # t: [B, S, D]; dec: [B, S-1, 1]
    # torch loop: for i in range(S-1, 1, -1): t[i-1] += t[i] * dec[i-1]
    # => for j = S-2 .. 1: t_new[j] = t[j] + dec[j] * t_new[j+1]; t[0], t[S-1] unchanged.
    S = t.shape[1]
    if S <= 2:
        return t
    t1 = t[:, 1:, :]  # orig indices 1..S-1, length S-1
    xs_t = jnp.swapaxes(t1[:, :-1, :], 0, 1)  # [S-2, B, D], k = 0..S-3 (orig j = k+1)
    xs_d = jnp.swapaxes(dec[:, 1:, :], 0, 1)  # [S-2, B, 1], dec index k+1

    def f(carry, x):
        xt, xd = x
        new = xt + xd * carry
        return new, new

    _, outs = jax.lax.scan(f, t1[:, -1, :], (xs_t, xs_d), reverse=True)
    t1_new = jnp.concatenate([jnp.swapaxes(outs, 0, 1), t1[:, -1:, :]], axis=1)
    return jnp.concatenate([t[:, :1, :], t1_new], axis=1)


def _soft_ce(pred_x, targ_x):
    # pred_x, targ_x: [B, S, C]; class axis = 2 (equivalent to torch permute + CE dim=1)
    logp = jax.nn.log_softmax(pred_x, axis=2)
    prob = jax.nn.softmax(targ_x, axis=2)
    return -jnp.sum(prob * logp, axis=2)  # [B, S]


def reference(pred, target):
    pred_H_0 = pred[:, :, :H]
    pred_H_1 = pred[:, :, H : 2 * H]
    pred_W_0 = pred[:, :, 2 * H : 2 * H + W]
    pred_W_1 = pred[:, :, 2 * H + W :]

    idxH = target[:, :, 1].astype(jnp.int32)
    idxW = target[:, :, 2].astype(jnp.int32)
    target_p = target[:, :, 3:4]

    ohH = jax.nn.one_hot(idxH, H, dtype=pred.dtype)
    ohW = jax.nn.one_hot(idxW, W, dtype=pred.dtype)
    target_H_0 = ohH * (1.0 - target_p)
    target_H_1 = ohH * target_p
    target_W_0 = ohW * (1.0 - target_p)
    target_W_1 = ohW * target_p

    time_diff = target[:, 1:, 0] - target[:, :-1, 0]
    time_decay = jnp.exp(-time_diff / TEMP)[..., None]  # [B, S-1, 1]

    target_H_0 = _decay_scan(target_H_0, time_decay)
    target_H_1 = _decay_scan(target_H_1, time_decay)
    target_W_0 = _decay_scan(target_W_0, time_decay)
    target_W_1 = _decay_scan(target_W_1, time_decay)

    target_0 = 1.0 - target[:, :, 3]
    target_1 = target[:, :, 3]

    loss_H_0 = _soft_ce(pred_H_0, target_H_0)
    loss_H_1 = _soft_ce(pred_H_1, target_H_1)
    loss_W_0 = _soft_ce(pred_W_0, target_W_0)
    loss_W_1 = _soft_ce(pred_W_1, target_W_1)

    loss_0 = loss_H_0 * target_0 + loss_W_0 * target_0
    loss_1 = loss_H_1 * target_1 + loss_W_1 * target_1
    return jnp.mean(loss_0 + loss_1)

if __name__ == "__main__":
    import jax
    _d = setup_inputs()
    print(jax.jit(kernel)(*tuple(_d.values())))

</pallas_src>

<mosaic_0001>
#map = affine_map<(d0, d1) -> (0, 0)>
#map1 = affine_map<(d0, d1) -> (0, 0, 0)>
module attributes {stable_mosaic.version = 14 : i64} {
  func.func @_sc_body(%arg0: i32, %arg1: i32, %arg2: memref<4x8192xf32, #tpu.memory_space<hbm>>, %arg3: memref<4x4x2048xf32, #tpu.memory_space<hbm>>, %arg4: memref<8192xf32, #tpu.memory_space<vmem>>, %arg5: memref<2048xf32, #tpu.memory_space<vmem>>, %arg6: memref<2048xf32, #tpu.memory_space<vmem>>, %arg7: memref<2048xf32, #tpu.memory_space<vmem>>, %arg8: memref<2048xf32, #tpu.memory_space<vmem>>) attributes {dimension_semantics = [#tpu.dimension_semantics<core_parallel>, #tpu.dimension_semantics<subcore_parallel>], iteration_bounds = array<i64: 2, 16>, scalar_prefetch = 0 : i64, scratch_operands = 5 : i64, tpu.core_type = #tpu.core_type<sc_vector_subcore>, window_params = [{transform_indices = #map}, {transform_indices = #map1}]} {
    %mul3A = arith.constant 2 : i32
    %mul3A_0 = arith.muli %arg1, %mul3A : i32
    %add3A = arith.addi %mul3A_0, %arg0 : i32
    %lt3A = arith.constant 4 : i32
    %lt3A_1 = arith.cmpi slt, %add3A, %lt3A : i32
    %convert_element_type3A = arith.extui %lt3A_1 : i1 to i32
    %cond3A = arith.constant 0 : i32
    %cond3A_2 = arith.cmpi ne, %convert_element_type3A, %cond3A : i32
    scf.if %cond3A_2 {
      "tpu.region"() ({
        %run_scoped3A_157 = tpu.sem_alloc : memref<!tpu.dma_semaphore, #tpu.memory_space<semaphore_mem>>
        %dma_start3A = arith.constant 0 : i32
        %dma_start3A_158 = tpu.memref_slice %arg2[%add3A, %dma_start3A] : memref<4x8192xf32, #tpu.memory_space<hbm>> -> memref<1x8192xf32, #tpu.memory_space<hbm>>
        %dma_start3A_159 = tpu.memref_squeeze %dma_start3A_158 : memref<1x8192xf32, #tpu.memory_space<hbm>> -> memref<8192xf32, #tpu.memory_space<hbm>>
        %dma_start3A_160 = arith.constant 0 : i32
        %dma_start3A_161 = tpu.memref_slice %arg2[%add3A, %dma_start3A_160] : memref<4x8192xf32, #tpu.memory_space<hbm>> -> memref<1x8192xf32, #tpu.memory_space<hbm>>
        %dma_start3A_162 = tpu.memref_squeeze %dma_start3A_161 : memref<1x8192xf32, #tpu.memory_space<hbm>> -> memref<8192xf32, #tpu.memory_space<hbm>>
        tpu.enqueue_dma source(%dma_start3A_162 : memref<8192xf32, #tpu.memory_space<hbm>>) target(%arg4 : memref<8192xf32, #tpu.memory_space<vmem>>) target_semaphore(%run_scoped3A_157 : memref<!tpu.dma_semaphore, #tpu.memory_space<semaphore_mem>>)
        %dma_wait3A = arith.constant 0 : i32
        %dma_wait3A_163 = tpu.memref_slice %arg2[%add3A, %dma_wait3A] : memref<4x8192xf32, #tpu.memory_space<hbm>> -> memref<1x8192xf32, #tpu.memory_space<hbm>>
        %dma_wait3A_164 = tpu.memref_squeeze %dma_wait3A_163 : memref<1x8192xf32, #tpu.memory_space<hbm>> -> memref<8192xf32, #tpu.memory_space<hbm>>
        %dma_wait3A_165 = arith.constant 0 : i32
        %dma_wait3A_166 = tpu.memref_slice %arg2[%add3A, %dma_wait3A_165] : memref<4x8192xf32, #tpu.memory_space<hbm>> -> memref<1x8192xf32, #tpu.memory_space<hbm>>
        %dma_wait3A_167 = tpu.memref_squeeze %dma_wait3A_166 : memref<1x8192xf32, #tpu.memory_space<hbm>> -> memref<8192xf32, #tpu.memory_space<hbm>>
        tpu.wait_dma2 semaphore(%run_scoped3A_157 : memref<!tpu.dma_semaphore, #tpu.memory_space<semaphore_mem>>) src(%dma_wait3A_167 : memref<8192xf32, #tpu.memory_space<hbm>>) dst(%arg4 : memref<8192xf32, #tpu.memory_space<vmem>>)
        tpu.yield
      }) : () -> ()
      %iota3A = tpu.iota {dimensions = array<i32: 0>} : vector<16xi32>
      %mul3A_3 = arith.constant 0 : i32
      %mul3A_4 = vector.broadcast %mul3A_3 : i32 to vector<16xi32>
      %mul3A_5 = arith.muli %iota3A, %mul3A_4 : vector<16xi32>
      %sub3A = arith.constant 1 : i32
      %sub3A_6 = vector.broadcast %sub3A : i32 to vector<16xi32>
      %sub3A_7 = arith.subi %sub3A_6, %iota3A : vector<16xi32>
      %max3A = arith.constant 0 : i32
      %max3A_8 = vector.broadcast %max3A : i32 to vector<16xi32>
      %max3A_9 = arith.maxsi %sub3A_7, %max3A_8 : vector<16xi32>
      %convert_element_type3A_10 = arith.sitofp %max3A_9 : vector<16xi32> to vector<16xf32>
      %add3A_11 = arith.constant 1 : i32
      %add3A_12 = vector.broadcast %add3A_11 : i32 to vector<16xi32>
      %add3A_13 = arith.addi %iota3A, %add3A_12 : vector<16xi32>
      %min3A = arith.constant 15 : i32
      %min3A_14 = vector.broadcast %min3A : i32 to vector<16xi32>
      %min3A_15 = arith.minsi %add3A_13, %min3A_14 : vector<16xi32>
      %sub3A_16 = arith.constant 15 : i32
      %sub3A_17 = vector.broadcast %sub3A_16 : i32 to vector<16xi32>
      %sub3A_18 = arith.subi %sub3A_17, %iota3A : vector<16xi32>
      %max3A_19 = arith.constant 0 : i32
      %max3A_20 = vector.broadcast %max3A_19 : i32 to vector<16xi32>
      %max3A_21 = arith.maxsi %sub3A_18, %max3A_20 : vector<16xi32>
      %min3A_22 = arith.constant 1 : i32
      %min3A_23 = vector.broadcast %min3A_22 : i32 to vector<16xi32>
      %min3A_24 = arith.minsi %max3A_21, %min3A_23 : vector<16xi32>
      %convert_element_type3A_25 = arith.sitofp %min3A_24 : vector<16xi32> to vector<16xf32>
      %add3A_26 = arith.constant 2 : i32
      %add3A_27 = vector.broadcast %add3A_26 : i32 to vector<16xi32>
      %add3A_28 = arith.addi %iota3A, %add3A_27 : vector<16xi32>
      %min3A_29 = arith.constant 15 : i32
      %min3A_30 = vector.broadcast %min3A_29 : i32 to vector<16xi32>
      %min3A_31 = arith.minsi %add3A_28, %min3A_30 : vector<16xi32>
      %sub3A_32 = arith.constant 14 : i32
      %sub3A_33 = vector.broadcast %sub3A_32 : i32 to vector<16xi32>
      %sub3A_34 = arith.subi %sub3A_33, %iota3A : vector<16xi32>
      %max3A_35 = arith.constant 0 : i32
      %max3A_36 = vector.broadcast %max3A_35 : i32 to vector<16xi32>
      %max3A_37 = arith.maxsi %sub3A_34, %max3A_36 : vector<16xi32>
      %min3A_38 = arith.constant 1 : i32
      %min3A_39 = vector.broadcast %min3A_38 : i32 to vector<16xi32>
      %min3A_40 = arith.minsi %max3A_37, %min3A_39 : vector<16xi32>
      %convert_element_type3A_41 = arith.sitofp %min3A_40 : vector<16xi32> to vector<16xf32>
      %add3A_42 = arith.constant 4 : i32
      %add3A_43 = vector.broadcast %add3A_42 : i32 to vector<16xi32>
      %add3A_44 = arith.addi %iota3A, %add3A_43 : vector<16xi32>
      %min3A_45 = arith.constant 15 : i32
      %min3A_46 = vector.broadcast %min3A_45 : i32 to vector<16xi32>
      %min3A_47 = arith.minsi %add3A_44, %min3A_46 : vector<16xi32>
      %sub3A_48 = arith.constant 12 : i32
      %sub3A_49 = vector.broadcast %sub3A_48 : i32 to vector<16xi32>
      %sub3A_50 = arith.subi %sub3A_49, %iota3A : vector<16xi32>
      %max3A_51 = arith.constant 0 : i32
      %max3A_52 = vector.broadcast %max3A_51 : i32 to vector<16xi32>
      %max3A_53 = arith.maxsi %sub3A_50, %max3A_52 : vector<16xi32>
      %min3A_54 = arith.constant 1 : i32
      %min3A_55 = vector.broadcast %min3A_54 : i32 to vector<16xi32>
      %min3A_56 = arith.minsi %max3A_53, %min3A_55 : vector<16xi32>
      %convert_element_type3A_57 = arith.sitofp %min3A_56 : vector<16xi32> to vector<16xf32>
      %add3A_58 = arith.constant 8 : i32
      %add3A_59 = vector.broadcast %add3A_58 : i32 to vector<16xi32>
      %add3A_60 = arith.addi %iota3A, %add3A_59 : vector<16xi32>
      %min3A_61 = arith.constant 15 : i32
      %min3A_62 = vector.broadcast %min3A_61 : i32 to vector<16xi32>
      %min3A_63 = arith.minsi %add3A_60, %min3A_62 : vector<16xi32>
      %sub3A_64 = arith.constant 8 : i32
      %sub3A_65 = vector.broadcast %sub3A_64 : i32 to vector<16xi32>
      %sub3A_66 = arith.subi %sub3A_65, %iota3A : vector<16xi32>
      %max3A_67 = arith.constant 0 : i32
      %max3A_68 = vector.broadcast %max3A_67 : i32 to vector<16xi32>
      %max3A_69 = arith.maxsi %sub3A_66, %max3A_68 : vector<16xi32>
      %min3A_70 = arith.constant 1 : i32
      %min3A_71 = vector.broadcast %min3A_70 : i32 to vector<16xi32>
      %min3A_72 = arith.minsi %max3A_69, %min3A_71 : vector<16xi32>
      %convert_element_type3A_73 = arith.sitofp %min3A_72 : vector<16xi32> to vector<16xf32>
      %shift_right_logical3A = arith.constant 2 : i32
      %shift_right_logical3A_74 = vector.broadcast %shift_right_logical3A : i32 to vector<16xi32>
      %shift_right_logical3A_75 = arith.shrui %iota3A, %shift_right_logical3A_74 : vector<16xi32>
      %and3A = arith.constant 3 : i32
      %and3A_76 = vector.broadcast %and3A : i32 to vector<16xi32>
      %and3A_77 = arith.andi %iota3A, %and3A_76 : vector<16xi32>
      %shift_left3A = arith.constant 2 : i32
      %shift_left3A_78 = vector.broadcast %shift_left3A : i32 to vector<16xi32>
      %shift_left3A_79 = arith.shli %and3A_77, %shift_left3A_78 : vector<16xi32>
      %sub3A_80 = arith.constant 0 : i32
      %sub3A_81 = vector.broadcast %sub3A_80 : i32 to vector<16xi32>
      %sub3A_82 = arith.subi %shift_right_logical3A_75, %sub3A_81 : vector<16xi32>
      %sub3A_83 = arith.constant 0 : i32
      %sub3A_84 = vector.broadcast %sub3A_83 : i32 to vector<16xi32>
      %sub3A_85 = arith.subi %shift_right_logical3A_75, %sub3A_84 : vector<16xi32>
      %mul3A_86 = arith.muli %sub3A_82, %sub3A_85 : vector<16xi32>
      %sub3A_87 = arith.constant 1 : i32
      %sub3A_88 = vector.broadcast %sub3A_87 : i32 to vector<16xi32>
      %sub3A_89 = arith.subi %sub3A_88, %mul3A_86 : vector<16xi32>
      %max3A_90 = arith.constant 0 : i32
      %max3A_91 = vector.broadcast %max3A_90 : i32 to vector<16xi32>
      %max3A_92 = arith.maxsi %sub3A_89, %max3A_91 : vector<16xi32>
      %min3A_93 = arith.constant 1 : i32
      %min3A_94 = vector.broadcast %min3A_93 : i32 to vector<16xi32>
      %min3A_95 = arith.minsi %max3A_92, %min3A_94 : vector<16xi32>
      %convert_element_type3A_96 = arith.sitofp %min3A_95 : vector<16xi32> to vector<16xf32>
      %sub3A_97 = arith.constant 1 : i32
      %sub3A_98 = vector.broadcast %sub3A_97 : i32 to vector<16xi32>
      %sub3A_99 = arith.subi %shift_right_logical3A_75, %sub3A_98 : vector<16xi32>
      %sub3A_100 = arith.constant 1 : i32
      %sub3A_101 = vector.broadcast %sub3A_100 : i32 to vector<16xi32>
      %sub3A_102 = arith.subi %shift_right_logical3A_75, %sub3A_101 : vector<16xi32>
      %mul3A_103 = arith.muli %sub3A_99, %sub3A_102 : vector<16xi32>
      %sub3A_104 = arith.constant 1 : i32
      %sub3A_105 = vector.broadcast %sub3A_104 : i32 to vector<16xi32>
      %sub3A_106 = arith.subi %sub3A_105, %mul3A_103 : vector<16xi32>
      %max3A_107 = arith.constant 0 : i32
      %max3A_108 = vector.broadcast %max3A_107 : i32 to vector<16xi32>
      %max3A_109 = arith.maxsi %sub3A_106, %max3A_108 : vector<16xi32>
      %min3A_110 = arith.constant 1 : i32
      %min3A_111 = vector.broadcast %min3A_110 : i32 to vector<16xi32>
      %min3A_112 = arith.minsi %max3A_109, %min3A_111 : vector<16xi32>
      %convert_element_type3A_113 = arith.sitofp %min3A_112 : vector<16xi32> to vector<16xf32>
      %sub3A_114 = arith.constant 2 : i32
      %sub3A_115 = vector.broadcast %sub3A_114 : i32 to vector<16xi32>
      %sub3A_116 = arith.subi %shift_right_logical3A_75, %sub3A_115 : vector<16xi32>
      %sub3A_117 = arith.constant 2 : i32
      %sub3A_118 = vector.broadcast %sub3A_117 : i32 to vector<16xi32>
      %sub3A_119 = arith.subi %shift_right_logical3A_75, %sub3A_118 : vector<16xi32>
      %mul3A_120 = arith.muli %sub3A_116, %sub3A_119 : vector<16xi32>
      %sub3A_121 = arith.constant 1 : i32
      %sub3A_122 = vector.broadcast %sub3A_121 : i32 to vector<16xi32>
      %sub3A_123 = arith.subi %sub3A_122, %mul3A_120 : vector<16xi32>
      %max3A_124 = arith.constant 0 : i32
      %max3A_125 = vector.broadcast %max3A_124 : i32 to vector<16xi32>
      %max3A_126 = arith.maxsi %sub3A_123, %max3A_125 : vector<16xi32>
      %min3A_127 = arith.constant 1 : i32
      %min3A_128 = vector.broadcast %min3A_127 : i32 to vector<16xi32>
      %min3A_129 = arith.minsi %max3A_126, %min3A_128 : vector<16xi32>
      %convert_element_type3A_130 = arith.sitofp %min3A_129 : vector<16xi32> to vector<16xf32>
      %sub3A_131 = arith.constant 3 : i32
      %sub3A_132 = vector.broadcast %sub3A_131 : i32 to vector<16xi32>
      %sub3A_133 = arith.subi %shift_right_logical3A_75, %sub3A_132 : vector<16xi32>
      %sub3A_134 = arith.constant 3 : i32
      %sub3A_135 = vector.broadcast %sub3A_134 : i32 to vector<16xi32>
      %sub3A_136 = arith.subi %shift_right_logical3A_75, %sub3A_135 : vector<16xi32>
      %mul3A_137 = arith.muli %sub3A_133, %sub3A_136 : vector<16xi32>
      %sub3A_138 = arith.constant 1 : i32
      %sub3A_139 = vector.broadcast %sub3A_138 : i32 to vector<16xi32>
      %sub3A_140 = arith.subi %sub3A_139, %mul3A_137 : vector<16xi32>
      %max3A_141 = arith.constant 0 : i32
      %max3A_142 = vector.broadcast %max3A_141 : i32 to vector<16xi32>
      %max3A_143 = arith.maxsi %sub3A_140, %max3A_142 : vector<16xi32>
      %min3A_144 = arith.constant 1 : i32
      %min3A_145 = vector.broadcast %min3A_144 : i32 to vector<16xi32>
      %min3A_146 = arith.minsi %max3A_143, %min3A_145 : vector<16xi32>
      %convert_element_type3A_147 = arith.sitofp %min3A_146 : vector<16xi32> to vector<16xf32>
      %broadcast_in_dim3A = arith.constant 0.000000e+00 : f32
      %broadcast_in_dim3A_148 = vector.broadcast %broadcast_in_dim3A : f32 to vector<16xf32>
      %scan3A = arith.constant 0 : i32
      %scan3A_149 = arith.constant 128 : i32
      %scan3A_150 = arith.addi %scan3A, %scan3A_149 : i32
      %scan3A_151 = arith.constant 1 : i32
      %scan3A_152:2 = scf.for %scan3A_157 = %scan3A to %scan3A_150 step %scan3A_151 iter_args(%scan3A_158 = %broadcast_in_dim3A_148, %scan3A_159 = %broadcast_in_dim3A_148) -> (vector<16xf32>, vector<16xf32>)  : i32 {
        %sub3A_160 = arith.constant 127 : i32
        %sub3A_161 = arith.subi %sub3A_160, %scan3A_157 : i32
        %mul3A_162 = arith.constant 64 : i32
        %mul3A_163 = arith.muli %sub3A_161, %mul3A_162 : i32
        %add3A_164 = arith.constant 0 : i32
        %add3A_165 = arith.addi %mul3A_163, %add3A_164 : i32
        %get3A = arith.index_cast %add3A_165 : i32 to index
        %get3A_166 = tpu.vector_load %arg4[%get3A] {strides = array<i32>} : memref<8192xf32, #tpu.memory_space<vmem>>, vector<16xf32>,
        %get3A_167 = vector.shape_cast %get3A_166 : vector<16xf32> to vector<16xf32>
        %add3A_168 = arith.constant 16 : i32
        %add3A_169 = arith.addi %mul3A_163, %add3A_168 : i32
        %get3A_170 = arith.index_cast %add3A_169 : i32 to index
        %get3A_171 = tpu.vector_load %arg4[%get3A_170] {strides = array<i32>} : memref<8192xf32, #tpu.memory_space<vmem>>, vector<16xf32>,
        %get3A_172 = vector.shape_cast %get3A_171 : vector<16xf32> to vector<16xf32>
        %add3A_173 = arith.constant 32 : i32
        %add3A_174 = arith.addi %mul3A_163, %add3A_173 : i32
        %get3A_175 = arith.index_cast %add3A_174 : i32 to index
        %get3A_176 = tpu.vector_load %arg4[%get3A_175] {strides = array<i32>} : memref<8192xf32, #tpu.memory_space<vmem>>, vector<16xf32>,
        %get3A_177 = vector.shape_cast %get3A_176 : vector<16xf32> to vector<16xf32>
        %add3A_178 = arith.constant 48 : i32
        %add3A_179 = arith.addi %mul3A_163, %add3A_178 : i32
        %get3A_180 = arith.index_cast %add3A_179 : i32 to index
        %get3A_181 = tpu.vector_load %arg4[%get3A_180] {strides = array<i32>} : memref<8192xf32, #tpu.memory_space<vmem>>, vector<16xf32>,
        %get3A_182 = vector.shape_cast %get3A_181 : vector<16xf32> to vector<16xf32>
        %broadcast_in_dim3A_183 = arith.constant 0.000000e+00 : f32
        %broadcast_in_dim3A_184 = vector.broadcast %broadcast_in_dim3A_183 : f32 to vector<16xf32>
        %add3A_185 = arith.constant 0 : i32
        %add3A_186 = vector.broadcast %add3A_185 : i32 to vector<16xi32>
        %add3A_187 = arith.addi %shift_left3A_79, %add3A_186 : vector<16xi32>
        %lt3A_188 = arith.constant 0 : i32
        %lt3A_189 = vector.broadcast %lt3A_188 : i32 to vector<16xi32>
        %lt3A_190 = arith.cmpi slt, %add3A_187, %lt3A_189 : vector<16xi32>
        %add3A_191 = arith.constant 16 : i32
        %add3A_192 = vector.broadcast %add3A_191 : i32 to vector<16xi32>
        %add3A_193 = arith.addi %add3A_187, %add3A_192 : vector<16xi32>
        %select_n3A = arith.select %lt3A_190, %add3A_193, %add3A_187 : vector<16xi1>, vector<16xi32>
        %broadcast_in_dim3A_194 = vector.shape_cast %select_n3A : vector<16xi32> to vector<16x1xi32>
        %gather3A = vector.shape_cast %broadcast_in_dim3A_194 : vector<16x1xi32> to vector<16xi32>
        %gather3A_195 = tpu.dynamic_gather %get3A_167[%gather3A] in [0] : vector<16xf32>, vector<16xi32> -> vector<16xf32>
        %mul3A_196 = arith.mulf %convert_element_type3A_96, %gather3A_195 : vector<16xf32>
        %add3A_197 = arith.addf %broadcast_in_dim3A_184, %mul3A_196 : vector<16xf32>
        %add3A_198 = arith.constant 0 : i32
        %add3A_199 = vector.broadcast %add3A_198 : i32 to vector<16xi32>
        %add3A_200 = arith.addi %shift_left3A_79, %add3A_199 : vector<16xi32>
        %lt3A_201 = arith.constant 0 : i32
        %lt3A_202 = vector.broadcast %lt3A_201 : i32 to vector<16xi32>
        %lt3A_203 = arith.cmpi slt, %add3A_200, %lt3A_202 : vector<16xi32>
        %add3A_204 = arith.constant 16 : i32
        %add3A_205 = vector.broadcast %add3A_204 : i32 to vector<16xi32>
        %add3A_206 = arith.addi %add3A_200, %add3A_205 : vector<16xi32>
        %select_n3A_207 = arith.select %lt3A_203, %add3A_206, %add3A_200 : vector<16xi1>, vector<16xi32>
        %broadcast_in_dim3A_208 = vector.shape_cast %select_n3A_207 : vector<16xi32> to vector<16x1xi32>
        %gather3A_209 = vector.shape_cast %broadcast_in_dim3A_208 : vector<16x1xi32> to vector<16xi32>
        %gather3A_210 = tpu.dynamic_gather %get3A_172[%gather3A_209] in [0] : vector<16xf32>, vector<16xi32> -> vector<16xf32>
        %mul3A_211 = arith.mulf %convert_element_type3A_113, %gather3A_210 : vector<16xf32>
        %add3A_212 = arith.addf %add3A_197, %mul3A_211 : vector<16xf32>
        %add3A_213 = arith.constant 0 : i32
        %add3A_214 = vector.broadcast %add3A_213 : i32 to vector<16xi32>
        %add3A_215 = arith.addi %shift_left3A_79, %add3A_214 : vector<16xi32>
        %lt3A_216 = arith.constant 0 : i32
        %lt3A_217 = vector.broadcast %lt3A_216 : i32 to vector<16xi32>
        %lt3A_218 = arith.cmpi slt, %add3A_215, %lt3A_217 : vector<16xi32>
        %add3A_219 = arith.constant 16 : i32
        %add3A_220 = vector.broadcast %add3A_219 : i32 to vector<16xi32>
        %add3A_221 = arith.addi %add3A_215, %add3A_220 : vector<16xi32>
        %select_n3A_222 = arith.select %lt3A_218, %add3A_221, %add3A_215 : vector<16xi1>, vector<16xi32>
        %broadcast_in_dim3A_223 = vector.shape_cast %select_n3A_222 : vector<16xi32> to vector<16x1xi32>
        %gather3A_224 = vector.shape_cast %broadcast_in_dim3A_223 : vector<16x1xi32> to vector<16xi32>
        %gather3A_225 = tpu.dynamic_gather %get3A_177[%gather3A_224] in [0] : vector<16xf32>, vector<16xi32> -> vector<16xf32>
        %mul3A_226 = arith.mulf %convert_element_type3A_130, %gather3A_225 : vector<16xf32>
        %add3A_227 = arith.addf %add3A_212, %mul3A_226 : vector<16xf32>
        %add3A_228 = arith.constant 0 : i32
        %add3A_229 = vector.broadcast %add3A_228 : i32 to vector<16xi32>
        %add3A_230 = arith.addi %shift_left3A_79, %add3A_229 : vector<16xi32>
        %lt3A_231 = arith.constant 0 : i32
        %lt3A_232 = vector.broadcast %lt3A_231 : i32 to vector<16xi32>
        %lt3A_233 = arith.cmpi slt, %add3A_230, %lt3A_232 : vector<16xi32>
        %add3A_234 = arith.constant 16 : i32
        %add3A_235 = vector.broadcast %add3A_234 : i32 to vector<16xi32>
        %add3A_236 = arith.addi %add3A_230, %add3A_235 : vector<16xi32>
        %select_n3A_237 = arith.select %lt3A_233, %add3A_236, %add3A_230 : vector<16xi1>, vector<16xi32>
        %broadcast_in_dim3A_238 = vector.shape_cast %select_n3A_237 : vector<16xi32> to vector<16x1xi32>
        %gather3A_239 = vector.shape_cast %broadcast_in_dim3A_238 : vector<16x1xi32> to vector<16xi32>
        %gather3A_240 = tpu.dynamic_gather %get3A_182[%gather3A_239] in [0] : vector<16xf32>, vector<16xi32> -> vector<16xf32>
        %mul3A_241 = arith.mulf %convert_element_type3A_147, %gather3A_240 : vector<16xf32>
        %add3A_242 = arith.addf %add3A_227, %mul3A_241 : vector<16xf32>
        %broadcast_in_dim3A_243 = arith.constant 0.000000e+00 : f32
        %broadcast_in_dim3A_244 = vector.broadcast %broadcast_in_dim3A_243 : f32 to vector<16xf32>
        %add3A_245 = arith.constant 3 : i32
        %add3A_246 = vector.broadcast %add3A_245 : i32 to vector<16xi32>
        %add3A_247 = arith.addi %shift_left3A_79, %add3A_246 : vector<16xi32>
        %lt3A_248 = arith.constant 0 : i32
        %lt3A_249 = vector.broadcast %lt3A_248 : i32 to vector<16xi32>
        %lt3A_250 = arith.cmpi slt, %add3A_247, %lt3A_249 : vector<16xi32>
        %add3A_251 = arith.constant 16 : i32
        %add3A_252 = vector.broadcast %add3A_251 : i32 to vector<16xi32>
        %add3A_253 = arith.addi %add3A_247, %add3A_252 : vector<16xi32>
        %select_n3A_254 = arith.select %lt3A_250, %add3A_253, %add3A_247 : vector<16xi1>, vector<16xi32>
        %broadcast_in_dim3A_255 = vector.shape_cast %select_n3A_254 : vector<16xi32> to vector<16x1xi32>
        %gather3A_256 = vector.shape_cast %broadcast_in_dim3A_255 : vector<16x1xi32> to vector<16xi32>
        %gather3A_257 = tpu.dynamic_gather %get3A_167[%gather3A_256] in [0] : vector<16xf32>, vector<16xi32> -> vector<16xf32>
        %mul3A_258 = arith.mulf %convert_element_type3A_96, %gather3A_257 : vector<16xf32>
        %add3A_259 = arith.addf %broadcast_in_dim3A_244, %mul3A_258 : vector<16xf32>
        %add3A_260 = arith.constant 3 : i32
        %add3A_261 = vector.broadcast %add3A_260 : i32 to vector<16xi32>
        %add3A_262 = arith.addi %shift_left3A_79, %add3A_261 : vector<16xi32>
        %lt3A_263 = arith.constant 0 : i32
        %lt3A_264 = vector.broadcast %lt3A_263 : i32 to vector<16xi32>
        %lt3A_265 = arith.cmpi slt, %add3A_262, %lt3A_264 : vector<16xi32>
        %add3A_266 = arith.constant 16 : i32
        %add3A_267 = vector.broadcast %add3A_266 : i32 to vector<16xi32>
        %add3A_268 = arith.addi %add3A_262, %add3A_267 : vector<16xi32>
        %select_n3A_269 = arith.select %lt3A_265, %add3A_268, %add3A_262 : vector<16xi1>, vector<16xi32>
        %broadcast_in_dim3A_270 = vector.shape_cast %select_n3A_269 : vector<16xi32> to vector<16x1xi32>
        %gather3A_271 = vector.shape_cast %broadcast_in_dim3A_270 : vector<16x1xi32> to vector<16xi32>
        %gather3A_272 = tpu.dynamic_gather %get3A_172[%gather3A_271] in [0] : vector<16xf32>, vector<16xi32> -> vector<16xf32>
        %mul3A_273 = arith.mulf %convert_element_type3A_113, %gather3A_272 : vector<16xf32>
        %add3A_274 = arith.addf %add3A_259, %mul3A_273 : vector<16xf32>
        %add3A_275 = arith.constant 3 : i32
        %add3A_276 = vector.broadcast %add3A_275 : i32 to vector<16xi32>
        %add3A_277 = arith.addi %shift_left3A_79, %add3A_276 : vector<16xi32>
        %lt3A_278 = arith.constant 0 : i32
        %lt3A_279 = vector.broadcast %lt3A_278 : i32 to vector<16xi32>
        %lt3A_280 = arith.cmpi slt, %add3A_277, %lt3A_279 : vector<16xi32>
        %add3A_281 = arith.constant 16 : i32
        %add3A_282 = vector.broadcast %add3A_281 : i32 to vector<16xi32>
        %add3A_283 = arith.addi %add3A_277, %add3A_282 : vector<16xi32>
        %select_n3A_284 = arith.select %lt3A_280, %add3A_283, %add3A_277 : vector<16xi1>, vector<16xi32>
        %broadcast_in_dim3A_285 = vector.shape_cast %select_n3A_284 : vector<16xi32> to vector<16x1xi32>
        %gather3A_286 = vector.shape_cast %broadcast_in_dim3A_285 : vector<16x1xi32> to vector<16xi32>
        %gather3A_287 = tpu.dynamic_gather %get3A_177[%gather3A_286] in [0] : vector<16xf32>, vector<16xi32> -> vector<16xf32>
        %mul3A_288 = arith.mulf %convert_element_type3A_130, %gather3A_287 : vector<16xf32>
        %add3A_289 = arith.addf %add3A_274, %mul3A_288 : vector<16xf32>
        %add3A_290 = arith.constant 3 : i32
        %add3A_291 = vector.broadcast %add3A_290 : i32 to vector<16xi32>
        %add3A_292 = arith.addi %shift_left3A_79, %add3A_291 : vector<16xi32>
        %lt3A_293 = arith.constant 0 : i32
        %lt3A_294 = vector.broadcast %lt3A_293 : i32 to vector<16xi32>
        %lt3A_295 = arith.cmpi slt, %add3A_292, %lt3A_294 : vector<16xi32>
        %add3A_296 = arith.constant 16 : i32
        %add3A_297 = vector.broadcast %add3A_296 : i32 to vector<16xi32>
        %add3A_298 = arith.addi %add3A_292, %add3A_297 : vector<16xi32>
        %select_n3A_299 = arith.select %lt3A_295, %add3A_298, %add3A_292 : vector<16xi1>, vector<16xi32>
        %broadcast_in_dim3A_300 = vector.shape_cast %select_n3A_299 : vector<16xi32> to vector<16x1xi32>
        %gather3A_301 = vector.shape_cast %broadcast_in_dim3A_300 : vector<16x1xi32> to vector<16xi32>
        %gather3A_302 = tpu.dynamic_gather %get3A_182[%gather3A_301] in [0] : vector<16xf32>, vector<16xi32> -> vector<16xf32>
        %mul3A_303 = arith.mulf %convert_element_type3A_147, %gather3A_302 : vector<16xf32>
        %add3A_304 = arith.addf %add3A_289, %mul3A_303 : vector<16xf32>
        %sub3A_305 = arith.constant 1.000000e+00 : f32
        %sub3A_306 = vector.broadcast %sub3A_305 : f32 to vector<16xf32>
        %sub3A_307 = arith.subf %sub3A_306, %add3A_304 : vector<16xf32>
        %mul3A_308 = arith.constant -3.906250e-03 : f32
        %mul3A_309 = vector.broadcast %mul3A_308 : f32 to vector<16xf32>
        %mul3A_310 = arith.mulf %add3A_242, %mul3A_309 : vector<16xf32>
        %exp3A = math.exp %mul3A_310 : vector<16xf32>
        %div3A = arith.constant 1.000000e+00 : f32
        %div3A_311 = vector.broadcast %div3A : f32 to vector<16xf32>
        %div3A_312 = arith.divf %div3A_311, %exp3A : vector<16xf32>
        %mul3A_313 = arith.mulf %sub3A_307, %exp3A : vector<16xf32>
        %mul3A_314 = arith.mulf %add3A_304, %exp3A : vector<16xf32>
        %lt3A_315 = arith.constant 0 : i32
        %lt3A_316 = vector.broadcast %lt3A_315 : i32 to vector<16xi32>
        %lt3A_317 = arith.cmpi slt, %min3A_15, %lt3A_316 : vector<16xi32>
        %add3A_318 = arith.constant 16 : i32
        %add3A_319 = vector.broadcast %add3A_318 : i32 to vector<16xi32>
        %add3A_320 = arith.addi %min3A_15, %add3A_319 : vector<16xi32>
        %select_n3A_321 = arith.select %lt3A_317, %add3A_320, %min3A_15 : vector<16xi1>, vector<16xi32>
        %broadcast_in_dim3A_322 = vector.shape_cast %select_n3A_321 : vector<16xi32> to vector<16x1xi32>
        %gather3A_323 = vector.shape_cast %broadcast_in_dim3A_322 : vector<16x1xi32> to vector<16xi32>
        %gather3A_324 = tpu.dynamic_gather %mul3A_313[%gather3A_323] in [0] : vector<16xf32>, vector<16xi32> -> vector<16xf32>
        %mul3A_325 = arith.mulf %convert_element_type3A_25, %gather3A_324 : vector<16xf32>
        %add3A_326 = arith.addf %mul3A_313, %mul3A_325 : vector<16xf32>
        %lt3A_327 = arith.constant 0 : i32
        %lt3A_328 = vector.broadcast %lt3A_327 : i32 to vector<16xi32>
        %lt3A_329 = arith.cmpi slt, %min3A_31, %lt3A_328 : vector<16xi32>
        %add3A_330 = arith.constant 16 : i32
        %add3A_331 = vector.broadcast %add3A_330 : i32 to vector<16xi32>
        %add3A_332 = arith.addi %min3A_31, %add3A_331 : vector<16xi32>
        %select_n3A_333 = arith.select %lt3A_329, %add3A_332, %min3A_31 : vector<16xi1>, vector<16xi32>
        %broadcast_in_dim3A_334 = vector.shape_cast %select_n3A_333 : vector<16xi32> to vector<16x1xi32>
        %gather3A_335 = vector.shape_cast %broadcast_in_dim3A_334 : vector<16x1xi32> to vector<16xi32>
        %gather3A_336 = tpu.dynamic_gather %add3A_326[%gather3A_335] in [0] : vector<16xf32>, vector<16xi32> -> vector<16xf32>
        %mul3A_337 = arith.mulf %convert_element_type3A_41, %gather3A_336 : vector<16xf32>
        %add3A_338 = arith.addf %add3A_326, %mul3A_337 : vector<16xf32>
        %lt3A_339 = arith.constant 0 : i32
        %lt3A_340 = vector.broadcast %lt3A_339 : i32 to vector<16xi32>
        %lt3A_341 = arith.cmpi slt, %min3A_47, %lt3A_340 : vector<16xi32>
        %add3A_342 = arith.constant 16 : i32
        %add3A_343 = vector.broadcast %add3A_342 : i32 to vector<16xi32>
        %add3A_344 = arith.addi %min3A_47, %add3A_343 : vector<16xi32>
        %select_n3A_345 = arith.select %lt3A_341, %add3A_344, %min3A_47 : vector<16xi1>, vector<16xi32>
        %broadcast_in_dim3A_346 = vector.shape_cast %select_n3A_345 : vector<16xi32> to vector<16x1xi32>
        %gather3A_347 = vector.shape_cast %broadcast_in_dim3A_346 : vector<16x1xi32> to vector<16xi32>
        %gather3A_348 = tpu.dynamic_gather %add3A_338[%gather3A_347] in [0] : vector<16xf32>, vector<16xi32> -> vector<16xf32>
        %mul3A_349 = arith.mulf %convert_element_type3A_57, %gather3A_348 : vector<16xf32>
        %add3A_350 = arith.addf %add3A_338, %mul3A_349 : vector<16xf32>
        %lt3A_351 = arith.constant 0 : i32
        %lt3A_352 = vector.broadcast %lt3A_351 : i32 to vector<16xi32>
        %lt3A_353 = arith.cmpi slt, %min3A_63, %lt3A_352 : vector<16xi32>
        %add3A_354 = arith.constant 16 : i32
        %add3A_355 = vector.broadcast %add3A_354 : i32 to vector<16xi32>
        %add3A_356 = arith.addi %min3A_63, %add3A_355 : vector<16xi32>
        %select_n3A_357 = arith.select %lt3A_353, %add3A_356, %min3A_63 : vector<16xi1>, vector<16xi32>
        %broadcast_in_dim3A_358 = vector.shape_cast %select_n3A_357 : vector<16xi32> to vector<16x1xi32>
        %gather3A_359 = vector.shape_cast %broadcast_in_dim3A_358 : vector<16x1xi32> to vector<16xi32>
        %gather3A_360 = tpu.dynamic_gather %add3A_350[%gather3A_359] in [0] : vector<16xf32>, vector<16xi32> -> vector<16xf32>
        %mul3A_361 = arith.mulf %convert_element_type3A_73, %gather3A_360 : vector<16xf32>
        %add3A_362 = arith.addf %add3A_350, %mul3A_361 : vector<16xf32>
        %lt3A_363 = arith.constant 0 : i32
        %lt3A_364 = vector.broadcast %lt3A_363 : i32 to vector<16xi32>
        %lt3A_365 = arith.cmpi slt, %min3A_15, %lt3A_364 : vector<16xi32>
        %add3A_366 = arith.constant 16 : i32
        %add3A_367 = vector.broadcast %add3A_366 : i32 to vector<16xi32>
        %add3A_368 = arith.addi %min3A_15, %add3A_367 : vector<16xi32>
        %select_n3A_369 = arith.select %lt3A_365, %add3A_368, %min3A_15 : vector<16xi1>, vector<16xi32>
        %broadcast_in_dim3A_370 = vector.shape_cast %select_n3A_369 : vector<16xi32> to vector<16x1xi32>
        %gather3A_371 = vector.shape_cast %broadcast_in_dim3A_370 : vector<16x1xi32> to vector<16xi32>
        %gather3A_372 = tpu.dynamic_gather %mul3A_314[%gather3A_371] in [0] : vector<16xf32>, vector<16xi32> -> vector<16xf32>
        %mul3A_373 = arith.mulf %convert_element_type3A_25, %gather3A_372 : vector<16xf32>
        %add3A_374 = arith.addf %mul3A_314, %mul3A_373 : vector<16xf32>
        %lt3A_375 = arith.constant 0 : i32
        %lt3A_376 = vector.broadcast %lt3A_375 : i32 to vector<16xi32>
        %lt3A_377 = arith.cmpi slt, %min3A_31, %lt3A_376 : vector<16xi32>
        %add3A_378 = arith.constant 16 : i32
        %add3A_379 = vector.broadcast %add3A_378 : i32 to vector<16xi32>
        %add3A_380 = arith.addi %min3A_31, %add3A_379 : vector<16xi32>
        %select_n3A_381 = arith.select %lt3A_377, %add3A_380, %min3A_31 : vector<16xi1>, vector<16xi32>
        %broadcast_in_dim3A_382 = vector.shape_cast %select_n3A_381 : vector<16xi32> to vector<16x1xi32>
        %gather3A_383 = vector.shape_cast %broadcast_in_dim3A_382 : vector<16x1xi32> to vector<16xi32>
        %gather3A_384 = tpu.dynamic_gather %add3A_374[%gather3A_383] in [0] : vector<16xf32>, vector<16xi32> -> vector<16xf32>
        %mul3A_385 = arith.mulf %convert_element_type3A_41, %gather3A_384 : vector<16xf32>
        %add3A_386 = arith.addf %add3A_374, %mul3A_385 : vector<16xf32>
        %lt3A_387 = arith.constant 0 : i32
        %lt3A_388 = vector.broadcast %lt3A_387 : i32 to vector<16xi32>
        %lt3A_389 = arith.cmpi slt, %min3A_47, %lt3A_388 : vector<16xi32>
        %add3A_390 = arith.constant 16 : i32
        %add3A_391 = vector.broadcast %add3A_390 : i32 to vector<16xi32>
        %add3A_392 = arith.addi %min3A_47, %add3A_391 : vector<16xi32>
        %select_n3A_393 = arith.select %lt3A_389, %add3A_392, %min3A_47 : vector<16xi1>, vector<16xi32>
        %broadcast_in_dim3A_394 = vector.shape_cast %select_n3A_393 : vector<16xi32> to vector<16x1xi32>
        %gather3A_395 = vector.shape_cast %broadcast_in_dim3A_394 : vector<16x1xi32> to vector<16xi32>
        %gather3A_396 = tpu.dynamic_gather %add3A_386[%gather3A_395] in [0] : vector<16xf32>, vector<16xi32> -> vector<16xf32>
        %mul3A_397 = arith.mulf %convert_element_type3A_57, %gather3A_396 : vector<16xf32>
        %add3A_398 = arith.addf %add3A_386, %mul3A_397 : vector<16xf32>
        %lt3A_399 = arith.constant 0 : i32
        %lt3A_400 = vector.broadcast %lt3A_399 : i32 to vector<16xi32>
        %lt3A_401 = arith.cmpi slt, %min3A_63, %lt3A_400 : vector<16xi32>
        %add3A_402 = arith.constant 16 : i32
        %add3A_403 = vector.broadcast %add3A_402 : i32 to vector<16xi32>
        %add3A_404 = arith.addi %min3A_63, %add3A_403 : vector<16xi32>
        %select_n3A_405 = arith.select %lt3A_401, %add3A_404, %min3A_63 : vector<16xi1>, vector<16xi32>
        %broadcast_in_dim3A_406 = vector.shape_cast %select_n3A_405 : vector<16xi32> to vector<16x1xi32>
        %gather3A_407 = vector.shape_cast %broadcast_in_dim3A_406 : vector<16x1xi32> to vector<16xi32>
        %gather3A_408 = tpu.dynamic_gather %add3A_398[%gather3A_407] in [0] : vector<16xf32>, vector<16xi32> -> vector<16xf32>
        %mul3A_409 = arith.mulf %convert_element_type3A_73, %gather3A_408 : vector<16xf32>
        %add3A_410 = arith.addf %add3A_398, %mul3A_409 : vector<16xf32>
        %sub3A_411 = arith.subf %add3A_362, %mul3A_313 : vector<16xf32>
        %add3A_412 = arith.addf %sub3A_411, %scan3A_158 : vector<16xf32>
        %sub3A_413 = arith.subf %add3A_410, %mul3A_314 : vector<16xf32>
        %add3A_414 = arith.addf %sub3A_413, %scan3A_159 : vector<16xf32>
        %mul3A_415 = arith.mulf %div3A_312, %add3A_412 : vector<16xf32>
        %add3A_416 = arith.addf %sub3A_307, %mul3A_415 : vector<16xf32>
        %mul3A_417 = arith.mulf %div3A_312, %add3A_414 : vector<16xf32>
        %add3A_418 = arith.addf %add3A_304, %mul3A_417 : vector<16xf32>
        %sub3A_419 = arith.constant 1 : i32
        %sub3A_420 = arith.subi %sub3A_419, %sub3A_161 : i32
        %max3A_421 = arith.constant 0 : i32
        %max3A_422 = arith.maxsi %sub3A_420, %max3A_421 : i32
        %min3A_423 = arith.constant 1 : i32
        %min3A_424 = arith.minsi %max3A_422, %min3A_423 : i32
        %convert_element_type3A_425 = arith.sitofp %min3A_424 : i32 to f32
        %mul3A_426 = vector.broadcast %convert_element_type3A_425 : f32 to vector<16xf32>
        %mul3A_427 = arith.mulf %convert_element_type3A_10, %mul3A_426 : vector<16xf32>
        %sub3A_428 = arith.subf %sub3A_307, %add3A_416 : vector<16xf32>
        %mul3A_429 = arith.mulf %mul3A_427, %sub3A_428 : vector<16xf32>
        %add3A_430 = arith.addf %add3A_416, %mul3A_429 : vector<16xf32>
        %sub3A_431 = arith.subf %add3A_304, %add3A_418 : vector<16xf32>
        %mul3A_432 = arith.mulf %mul3A_427, %sub3A_431 : vector<16xf32>
        %add3A_433 = arith.addf %add3A_418, %mul3A_432 : vector<16xf32>
        %neg3A = arith.constant 0.000000e+00 : f32
        %neg3A_434 = vector.broadcast %neg3A : f32 to vector<16xf32>
        %neg3A_435 = arith.subf %neg3A_434, %add3A_430 : vector<16xf32>
        %exp3A_436 = math.exp %neg3A_435 : vector<16xf32>
        %neg3A_437 = arith.constant 0.000000e+00 : f32
        %neg3A_438 = vector.broadcast %neg3A_437 : f32 to vector<16xf32>
        %neg3A_439 = arith.subf %neg3A_438, %add3A_433 : vector<16xf32>
        %exp3A_440 = math.exp %neg3A_439 : vector<16xf32>
        %mul3A_441 = arith.constant 5.110000e+02 : f32
        %mul3A_442 = vector.broadcast %mul3A_441 : f32 to vector<16xf32>
        %mul3A_443 = arith.mulf %mul3A_442, %exp3A_436 : vector<16xf32>
        %add3A_444 = arith.constant 1.000000e+00 : f32
        %add3A_445 = vector.broadcast %add3A_444 : f32 to vector<16xf32>
        %add3A_446 = arith.addf %add3A_445, %mul3A_443 : vector<16xf32>
        %div3A_447 = arith.divf %sub3A_307, %add3A_446 : vector<16xf32>
        %mul3A_448 = arith.constant 5.110000e+02 : f32
        %mul3A_449 = vector.broadcast %mul3A_448 : f32 to vector<16xf32>
        %mul3A_450 = arith.mulf %mul3A_449, %exp3A_440 : vector<16xf32>
        %add3A_451 = arith.constant 1.000000e+00 : f32
        %add3A_452 = vector.broadcast %add3A_451 : f32 to vector<16xf32>
        %add3A_453 = arith.addf %add3A_452, %mul3A_450 : vector<16xf32>
        %div3A_454 = arith.divf %add3A_304, %add3A_453 : vector<16xf32>
        %mul3A_455 = arith.constant 16 : i32
        %mul3A_456 = arith.muli %sub3A_161, %mul3A_455 : i32
        %swap3A = arith.index_cast %mul3A_456 : i32 to index
        %swap3A_457 = tpu.vector_load %arg5[%swap3A] {strides = array<i32>} : memref<2048xf32, #tpu.memory_space<vmem>>, vector<16xf32>,
        %swap3A_458 = vector.shape_cast %swap3A_457 : vector<16xf32> to vector<16xf32>
        %swap3A_459 = vector.shape_cast %div3A_447 : vector<16xf32> to vector<16xf32>
        tpu.vector_store %arg5[%swap3A], %swap3A_459 {strides = array<i32>} : memref<2048xf32, #tpu.memory_space<vmem>>, vector<16xf32>,
        %mul3A_460 = arith.mulf %div3A_447, %exp3A_436 : vector<16xf32>
        %swap3A_461 = arith.index_cast %mul3A_456 : i32 to index
        %swap3A_462 = tpu.vector_load %arg6[%swap3A_461] {strides = array<i32>} : memref<2048xf32, #tpu.memory_space<vmem>>, vector<16xf32>,
        %swap3A_463 = vector.shape_cast %swap3A_462 : vector<16xf32> to vector<16xf32>
        %swap3A_464 = vector.shape_cast %mul3A_460 : vector<16xf32> to vector<16xf32>
        tpu.vector_store %arg6[%swap3A_461], %swap3A_464 {strides = array<i32>} : memref<2048xf32, #tpu.memory_space<vmem>>, vector<16xf32>,
        %swap3A_465 = arith.index_cast %mul3A_456 : i32 to index
        %swap3A_466 = tpu.vector_load %arg7[%swap3A_465] {strides = array<i32>} : memref<2048xf32, #tpu.memory_space<vmem>>, vector<16xf32>,
        %swap3A_467 = vector.shape_cast %swap3A_466 : vector<16xf32> to vector<16xf32>
        %swap3A_468 = vector.shape_cast %div3A_454 : vector<16xf32> to vector<16xf32>
        tpu.vector_store %arg7[%swap3A_465], %swap3A_468 {strides = array<i32>} : memref<2048xf32, #tpu.memory_space<vmem>>, vector<16xf32>,
        %mul3A_469 = arith.mulf %div3A_454, %exp3A_440 : vector<16xf32>
        %swap3A_470 = arith.index_cast %mul3A_456 : i32 to index
        %swap3A_471 = tpu.vector_load %arg8[%swap3A_470] {strides = array<i32>} : memref<2048xf32, #tpu.memory_space<vmem>>, vector<16xf32>,
        %swap3A_472 = vector.shape_cast %swap3A_471 : vector<16xf32> to vector<16xf32>
        %swap3A_473 = vector.shape_cast %mul3A_469 : vector<16xf32> to vector<16xf32>
        tpu.vector_store %arg8[%swap3A_470], %swap3A_473 {strides = array<i32>} : memref<2048xf32, #tpu.memory_space<vmem>>, vector<16xf32>,
        %lt3A_474 = arith.constant 0 : i32
        %lt3A_475 = vector.broadcast %lt3A_474 : i32 to vector<16xi32>
        %lt3A_476 = arith.cmpi slt, %mul3A_5, %lt3A_475 : vector<16xi32>
        %add3A_477 = arith.constant 16 : i32
        %add3A_478 = vector.broadcast %add3A_477 : i32 to vector<16xi32>
        %add3A_479 = arith.addi %mul3A_5, %add3A_478 : vector<16xi32>
        %select_n3A_480 = arith.select %lt3A_476, %add3A_479, %mul3A_5 : vector<16xi1>, vector<16xi32>
        %broadcast_in_dim3A_481 = vector.shape_cast %select_n3A_480 : vector<16xi32> to vector<16x1xi32>
        %gather3A_482 = vector.shape_cast %broadcast_in_dim3A_481 : vector<16x1xi32> to vector<16xi32>
        %gather3A_483 = tpu.dynamic_gather %add3A_362[%gather3A_482] in [0] : vector<16xf32>, vector<16xi32> -> vector<16xf32>
        %add3A_484 = arith.addf %scan3A_158, %gather3A_483 : vector<16xf32>
        %lt3A_485 = arith.constant 0 : i32
        %lt3A_486 = vector.broadcast %lt3A_485 : i32 to vector<16xi32>
        %lt3A_487 = arith.cmpi slt, %mul3A_5, %lt3A_486 : vector<16xi32>
        %add3A_488 = arith.constant 16 : i32
        %add3A_489 = vector.broadcast %add3A_488 : i32 to vector<16xi32>
        %add3A_490 = arith.addi %mul3A_5, %add3A_489 : vector<16xi32>
        %select_n3A_491 = arith.select %lt3A_487, %add3A_490, %mul3A_5 : vector<16xi1>, vector<16xi32>
        %broadcast_in_dim3A_492 = vector.shape_cast %select_n3A_491 : vector<16xi32> to vector<16x1xi32>
        %gather3A_493 = vector.shape_cast %broadcast_in_dim3A_492 : vector<16x1xi32> to vector<16xi32>
        %gather3A_494 = tpu.dynamic_gather %add3A_410[%gather3A_493] in [0] : vector<16xf32>, vector<16xi32> -> vector<16xf32>
        %add3A_495 = arith.addf %scan3A_159, %gather3A_494 : vector<16xf32>
        scf.yield %add3A_484, %add3A_495 : vector<16xf32>, vector<16xf32>
      }
      %scan3A_153 = arith.constant 128 : i32
      %run_scoped3A = arith.constant 0 : i32
      "tpu.region"() ({
        %run_scoped3A_157 = tpu.sem_alloc : memref<!tpu.dma_semaphore, #tpu.memory_space<semaphore_mem>>
        %dma_start3A = arith.constant 0 : i32
        %dma_start3A_158 = tpu.memref_slice %arg3[%run_scoped3A, %add3A, %dma_start3A] : memref<4x4x2048xf32, #tpu.memory_space<hbm>> -> memref<1x1x2048xf32, #tpu.memory_space<hbm>>
        %dma_start3A_159 = tpu.memref_squeeze %dma_start3A_158 : memref<1x1x2048xf32, #tpu.memory_space<hbm>> -> memref<2048xf32, #tpu.memory_space<hbm>>
        %dma_start3A_160 = arith.constant 0 : i32
        %dma_start3A_161 = tpu.memref_slice %arg3[%run_scoped3A, %add3A, %dma_start3A_160] : memref<4x4x2048xf32, #tpu.memory_space<hbm>> -> memref<1x1x2048xf32, #tpu.memory_space<hbm>>
        %dma_start3A_162 = tpu.memref_squeeze %dma_start3A_161 : memref<1x1x2048xf32, #tpu.memory_space<hbm>> -> memref<2048xf32, #tpu.memory_space<hbm>>
        tpu.enqueue_dma source(%arg5 : memref<2048xf32, #tpu.memory_space<vmem>>) target(%dma_start3A_162 : memref<2048xf32, #tpu.memory_space<hbm>>) target_semaphore(%run_scoped3A_157 : memref<!tpu.dma_semaphore, #tpu.memory_space<semaphore_mem>>)
        %dma_wait3A = arith.constant 0 : i32
        %dma_wait3A_163 = tpu.memref_slice %arg3[%run_scoped3A, %add3A, %dma_wait3A] : memref<4x4x2048xf32, #tpu.memory_space<hbm>> -> memref<1x1x2048xf32, #tpu.memory_space<hbm>>
        %dma_wait3A_164 = tpu.memref_squeeze %dma_wait3A_163 : memref<1x1x2048xf32, #tpu.memory_space<hbm>> -> memref<2048xf32, #tpu.memory_space<hbm>>
        %dma_wait3A_165 = arith.constant 0 : i32
        %dma_wait3A_166 = tpu.memref_slice %arg3[%run_scoped3A, %add3A, %dma_wait3A_165] : memref<4x4x2048xf32, #tpu.memory_space<hbm>> -> memref<1x1x2048xf32, #tpu.memory_space<hbm>>
        %dma_wait3A_167 = tpu.memref_squeeze %dma_wait3A_166 : memref<1x1x2048xf32, #tpu.memory_space<hbm>> -> memref<2048xf32, #tpu.memory_space<hbm>>
        tpu.wait_dma2 semaphore(%run_scoped3A_157 : memref<!tpu.dma_semaphore, #tpu.memory_space<semaphore_mem>>) src(%arg5 : memref<2048xf32, #tpu.memory_space<vmem>>) dst(%dma_wait3A_167 : memref<2048xf32, #tpu.memory_space<hbm>>)
        tpu.yield
      }) : () -> ()
      %run_scoped3A_154 = arith.constant 1 : i32
      "tpu.region"() ({
        %run_scoped3A_157 = tpu.sem_alloc : memref<!tpu.dma_semaphore, #tpu.memory_space<semaphore_mem>>
        %dma_start3A = arith.constant 0 : i32
        %dma_start3A_158 = tpu.memref_slice %arg3[%run_scoped3A_154, %add3A, %dma_start3A] : memref<4x4x2048xf32, #tpu.memory_space<hbm>> -> memref<1x1x2048xf32, #tpu.memory_space<hbm>>
        %dma_start3A_159 = tpu.memref_squeeze %dma_start3A_158 : memref<1x1x2048xf32, #tpu.memory_space<hbm>> -> memref<2048xf32, #tpu.memory_space<hbm>>
        %dma_start3A_160 = arith.constant 0 : i32
        %dma_start3A_161 = tpu.memref_slice %arg3[%run_scoped3A_154, %add3A, %dma_start3A_160] : memref<4x4x2048xf32, #tpu.memory_space<hbm>> -> memref<1x1x2048xf32, #tpu.memory_space<hbm>>
        %dma_start3A_162 = tpu.memref_squeeze %dma_start3A_161 : memref<1x1x2048xf32, #tpu.memory_space<hbm>> -> memref<2048xf32, #tpu.memory_space<hbm>>
        tpu.enqueue_dma source(%arg6 : memref<2048xf32, #tpu.memory_space<vmem>>) target(%dma_start3A_162 : memref<2048xf32, #tpu.memory_space<hbm>>) target_semaphore(%run_scoped3A_157 : memref<!tpu.dma_semaphore, #tpu.memory_space<semaphore_mem>>)
        %dma_wait3A = arith.constant 0 : i32
        %dma_wait3A_163 = tpu.memref_slice %arg3[%run_scoped3A_154, %add3A, %dma_wait3A] : memref<4x4x2048xf32, #tpu.memory_space<hbm>> -> memref<1x1x2048xf32, #tpu.memory_space<hbm>>
        %dma_wait3A_164 = tpu.memref_squeeze %dma_wait3A_163 : memref<1x1x2048xf32, #tpu.memory_space<hbm>> -> memref<2048xf32, #tpu.memory_space<hbm>>
        %dma_wait3A_165 = arith.constant 0 : i32
        %dma_wait3A_166 = tpu.memref_slice %arg3[%run_scoped3A_154, %add3A, %dma_wait3A_165] : memref<4x4x2048xf32, #tpu.memory_space<hbm>> -> memref<1x1x2048xf32, #tpu.memory_space<hbm>>
        %dma_wait3A_167 = tpu.memref_squeeze %dma_wait3A_166 : memref<1x1x2048xf32, #tpu.memory_space<hbm>> -> memref<2048xf32, #tpu.memory_space<hbm>>
        tpu.wait_dma2 semaphore(%run_scoped3A_157 : memref<!tpu.dma_semaphore, #tpu.memory_space<semaphore_mem>>) src(%arg6 : memref<2048xf32, #tpu.memory_space<vmem>>) dst(%dma_wait3A_167 : memref<2048xf32, #tpu.memory_space<hbm>>)
        tpu.yield
      }) : () -> ()
      %run_scoped3A_155 = arith.constant 2 : i32
      "tpu.region"() ({
        %run_scoped3A_157 = tpu.sem_alloc : memref<!tpu.dma_semaphore, #tpu.memory_space<semaphore_mem>>
        %dma_start3A = arith.constant 0 : i32
        %dma_start3A_158 = tpu.memref_slice %arg3[%run_scoped3A_155, %add3A, %dma_start3A] : memref<4x4x2048xf32, #tpu.memory_space<hbm>> -> memref<1x1x2048xf32, #tpu.memory_space<hbm>>
        %dma_start3A_159 = tpu.memref_squeeze %dma_start3A_158 : memref<1x1x2048xf32, #tpu.memory_space<hbm>> -> memref<2048xf32, #tpu.memory_space<hbm>>
        %dma_start3A_160 = arith.constant 0 : i32
        %dma_start3A_161 = tpu.memref_slice %arg3[%run_scoped3A_155, %add3A, %dma_start3A_160] : memref<4x4x2048xf32, #tpu.memory_space<hbm>> -> memref<1x1x2048xf32, #tpu.memory_space<hbm>>
        %dma_start3A_162 = tpu.memref_squeeze %dma_start3A_161 : memref<1x1x2048xf32, #tpu.memory_space<hbm>> -> memref<2048xf32, #tpu.memory_space<hbm>>
        tpu.enqueue_dma source(%arg7 : memref<2048xf32, #tpu.memory_space<vmem>>) target(%dma_start3A_162 : memref<2048xf32, #tpu.memory_space<hbm>>) target_semaphore(%run_scoped3A_157 : memref<!tpu.dma_semaphore, #tpu.memory_space<semaphore_mem>>)
        %dma_wait3A = arith.constant 0 : i32
        %dma_wait3A_163 = tpu.memref_slice %arg3[%run_scoped3A_155, %add3A, %dma_wait3A] : memref<4x4x2048xf32, #tpu.memory_space<hbm>> -> memref<1x1x2048xf32, #tpu.memory_space<hbm>>
        %dma_wait3A_164 = tpu.memref_squeeze %dma_wait3A_163 : memref<1x1x2048xf32, #tpu.memory_space<hbm>> -> memref<2048xf32, #tpu.memory_space<hbm>>
        %dma_wait3A_165 = arith.constant 0 : i32
        %dma_wait3A_166 = tpu.memref_slice %arg3[%run_scoped3A_155, %add3A, %dma_wait3A_165] : memref<4x4x2048xf32, #tpu.memory_space<hbm>> -> memref<1x1x2048xf32, #tpu.memory_space<hbm>>
        %dma_wait3A_167 = tpu.memref_squeeze %dma_wait3A_166 : memref<1x1x2048xf32, #tpu.memory_space<hbm>> -> memref<2048xf32, #tpu.memory_space<hbm>>
        tpu.wait_dma2 semaphore(%run_scoped3A_157 : memref<!tpu.dma_semaphore, #tpu.memory_space<semaphore_mem>>) src(%arg7 : memref<2048xf32, #tpu.memory_space<vmem>>) dst(%dma_wait3A_167 : memref<2048xf32, #tpu.memory_space<hbm>>)
        tpu.yield
      }) : () -> ()
      %run_scoped3A_156 = arith.constant 3 : i32
      "tpu.region"() ({
        %run_scoped3A_157 = tpu.sem_alloc : memref<!tpu.dma_semaphore, #tpu.memory_space<semaphore_mem>>
        %dma_start3A = arith.constant 0 : i32
        %dma_start3A_158 = tpu.memref_slice %arg3[%run_scoped3A_156, %add3A, %dma_start3A] : memref<4x4x2048xf32, #tpu.memory_space<hbm>> -> memref<1x1x2048xf32, #tpu.memory_space<hbm>>
        %dma_start3A_159 = tpu.memref_squeeze %dma_start3A_158 : memref<1x1x2048xf32, #tpu.memory_space<hbm>> -> memref<2048xf32, #tpu.memory_space<hbm>>
        %dma_start3A_160 = arith.constant 0 : i32
        %dma_start3A_161 = tpu.memref_slice %arg3[%run_scoped3A_156, %add3A, %dma_start3A_160] : memref<4x4x2048xf32, #tpu.memory_space<hbm>> -> memref<1x1x2048xf32, #tpu.memory_space<hbm>>
        %dma_start3A_162 = tpu.memref_squeeze %dma_start3A_161 : memref<1x1x2048xf32, #tpu.memory_space<hbm>> -> memref<2048xf32, #tpu.memory_space<hbm>>
        tpu.enqueue_dma source(%arg8 : memref<2048xf32, #tpu.memory_space<vmem>>) target(%dma_start3A_162 : memref<2048xf32, #tpu.memory_space<hbm>>) target_semaphore(%run_scoped3A_157 : memref<!tpu.dma_semaphore, #tpu.memory_space<semaphore_mem>>)
        %dma_wait3A = arith.constant 0 : i32
        %dma_wait3A_163 = tpu.memref_slice %arg3[%run_scoped3A_156, %add3A, %dma_wait3A] : memref<4x4x2048xf32, #tpu.memory_space<hbm>> -> memref<1x1x2048xf32, #tpu.memory_space<hbm>>
        %dma_wait3A_164 = tpu.memref_squeeze %dma_wait3A_163 : memref<1x1x2048xf32, #tpu.memory_space<hbm>> -> memref<2048xf32, #tpu.memory_space<hbm>>
        %dma_wait3A_165 = arith.constant 0 : i32
        %dma_wait3A_166 = tpu.memref_slice %arg3[%run_scoped3A_156, %add3A, %dma_wait3A_165] : memref<4x4x2048xf32, #tpu.memory_space<hbm>> -> memref<1x1x2048xf32, #tpu.memory_space<hbm>>
        %dma_wait3A_167 = tpu.memref_squeeze %dma_wait3A_166 : memref<1x1x2048xf32, #tpu.memory_space<hbm>> -> memref<2048xf32, #tpu.memory_space<hbm>>
        tpu.wait_dma2 semaphore(%run_scoped3A_157 : memref<!tpu.dma_semaphore, #tpu.memory_space<semaphore_mem>>) src(%arg8 : memref<2048xf32, #tpu.memory_space<vmem>>) dst(%dma_wait3A_167 : memref<2048xf32, #tpu.memory_space<hbm>>)
        tpu.yield
      }) : () -> ()
    } else {
    }
    return
  }
}

module attributes {stable_mosaic.version = 14 : i64} {
  func.func @_combine_body(%arg0: memref<4x2048x1xf32, #tpu.memory_space<vmem>>, %arg1: memref<4x2048x1xf32, #tpu.memory_space<vmem>>, %arg2: memref<4x2048x1xf32, #tpu.memory_space<vmem>>, %arg3: memref<4x2048x1xf32, #tpu.memory_space<vmem>>, %arg4: memref<4x4x2048xf32, #tpu.memory_space<vmem>>, %arg5: memref<1x1xf32, #tpu.memory_space<vmem>>) attributes {dimension_semantics = [], scalar_prefetch = 0 : i64, scratch_operands = 0 : i64, tpu.core_type = #tpu.core_type<tc>} {
    %broadcast_in_dim3A = arith.constant 0.000000e+00 : f32
    %broadcast_in_dim3A_0 = vector.broadcast %broadcast_in_dim3A : f32 to vector<1x1xf32>
    %get3A = arith.constant 0 : index
    %get3A_1 = arith.constant 0 : index
    %get3A_2 = arith.constant 0 : index
    %get3A_3 = vector.load %arg4[%get3A, %get3A_1, %get3A_2] : memref<4x4x2048xf32, #tpu.memory_space<vmem>>, vector<1x1x2048xf32>
    %get3A_4 = vector.shape_cast %get3A_3 : vector<1x1x2048xf32> to vector<1x2048xf32>
    %get3A_5 = arith.constant 0 : index
    %get3A_6 = arith.constant 0 : index
    %get3A_7 = arith.constant 0 : index
    %get3A_8 = vector.load %arg0[%get3A_5, %get3A_6, %get3A_7] : memref<4x2048x1xf32, #tpu.memory_space<vmem>>, vector<1x2048x1xf32>
    %get3A_9 = vector.shape_cast %get3A_8 : vector<1x2048x1xf32> to vector<2048x1xf32>
    %dot_general3A = arith.constant dense<0.000000e+00> : vector<1x1xf32>
    %dot_general3A_10 = tpu.matmul %get3A_4, %get3A_9, %dot_general3A {dimension_numbers = #tpu.dot_dimension_numbers<[1], [0], [0], [1], [0, 0, 1, 1], [], []>, transpose_lhs_hint = false} : vector<1x2048xf32>, vector<2048x1xf32>, vector<1x1xf32> -> vector<1x1xf32>
    %add3A = arith.addf %broadcast_in_dim3A_0, %dot_general3A_10 : vector<1x1xf32>
    %get3A_11 = arith.constant 0 : index
    %get3A_12 = arith.constant 1 : index
    %get3A_13 = arith.constant 0 : index
    %get3A_14 = vector.load %arg4[%get3A_11, %get3A_12, %get3A_13] : memref<4x4x2048xf32, #tpu.memory_space<vmem>>, vector<1x1x2048xf32>
    %get3A_15 = vector.shape_cast %get3A_14 : vector<1x1x2048xf32> to vector<1x2048xf32>
    %get3A_16 = arith.constant 1 : index
    %get3A_17 = arith.constant 0 : index
    %get3A_18 = arith.constant 0 : index
    %get3A_19 = vector.load %arg0[%get3A_16, %get3A_17, %get3A_18] : memref<4x2048x1xf32, #tpu.memory_space<vmem>>, vector<1x2048x1xf32>
    %get3A_20 = vector.shape_cast %get3A_19 : vector<1x2048x1xf32> to vector<2048x1xf32>
    %dot_general3A_21 = arith.constant dense<0.000000e+00> : vector<1x1xf32>
    %dot_general3A_22 = tpu.matmul %get3A_15, %get3A_20, %dot_general3A_21 {dimension_numbers = #tpu.dot_dimension_numbers<[1], [0], [0], [1], [0, 0, 1, 1], [], []>, transpose_lhs_hint = false} : vector<1x2048xf32>, vector<2048x1xf32>, vector<1x1xf32> -> vector<1x1xf32>
    %add3A_23 = arith.addf %add3A, %dot_general3A_22 : vector<1x1xf32>
    %get3A_24 = arith.constant 0 : index
    %get3A_25 = arith.constant 2 : index
    %get3A_26 = arith.constant 0 : index
    %get3A_27 = vector.load %arg4[%get3A_24, %get3A_25, %get3A_26] : memref<4x4x2048xf32, #tpu.memory_space<vmem>>, vector<1x1x2048xf32>
    %get3A_28 = vector.shape_cast %get3A_27 : vector<1x1x2048xf32> to vector<1x2048xf32>
    %get3A_29 = arith.constant 2 : index
    %get3A_30 = arith.constant 0 : index
    %get3A_31 = arith.constant 0 : index
    %get3A_32 = vector.load %arg0[%get3A_29, %get3A_30, %get3A_31] : memref<4x2048x1xf32, #tpu.memory_space<vmem>>, vector<1x2048x1xf32>
    %get3A_33 = vector.shape_cast %get3A_32 : vector<1x2048x1xf32> to vector<2048x1xf32>
    %dot_general3A_34 = arith.constant dense<0.000000e+00> : vector<1x1xf32>
    %dot_general3A_35 = tpu.matmul %get3A_28, %get3A_33, %dot_general3A_34 {dimension_numbers = #tpu.dot_dimension_numbers<[1], [0], [0], [1], [0, 0, 1, 1], [], []>, transpose_lhs_hint = false} : vector<1x2048xf32>, vector<2048x1xf32>, vector<1x1xf32> -> vector<1x1xf32>
    %add3A_36 = arith.addf %add3A_23, %dot_general3A_35 : vector<1x1xf32>
    %get3A_37 = arith.constant 0 : index
    %get3A_38 = arith.constant 3 : index
    %get3A_39 = arith.constant 0 : index
    %get3A_40 = vector.load %arg4[%get3A_37, %get3A_38, %get3A_39] : memref<4x4x2048xf32, #tpu.memory_space<vmem>>, vector<1x1x2048xf32>
    %get3A_41 = vector.shape_cast %get3A_40 : vector<1x1x2048xf32> to vector<1x2048xf32>
    %get3A_42 = arith.constant 3 : index
    %get3A_43 = arith.constant 0 : index
    %get3A_44 = arith.constant 0 : index
    %get3A_45 = vector.load %arg0[%get3A_42, %get3A_43, %get3A_44] : memref<4x2048x1xf32, #tpu.memory_space<vmem>>, vector<1x2048x1xf32>
    %get3A_46 = vector.shape_cast %get3A_45 : vector<1x2048x1xf32> to vector<2048x1xf32>
    %dot_general3A_47 = arith.constant dense<0.000000e+00> : vector<1x1xf32>
    %dot_general3A_48 = tpu.matmul %get3A_41, %get3A_46, %dot_general3A_47 {dimension_numbers = #tpu.dot_dimension_numbers<[1], [0], [0], [1], [0, 0, 1, 1], [], []>, transpose_lhs_hint = false} : vector<1x2048xf32>, vector<2048x1xf32>, vector<1x1xf32> -> vector<1x1xf32>
    %add3A_49 = arith.addf %add3A_36, %dot_general3A_48 : vector<1x1xf32>
    %get3A_50 = arith.constant 1 : index
    %get3A_51 = arith.constant 0 : index
    %get3A_52 = arith.constant 0 : index
    %get3A_53 = vector.load %arg4[%get3A_50, %get3A_51, %get3A_52] : memref<4x4x2048xf32, #tpu.memory_space<vmem>>, vector<1x1x2048xf32>
    %get3A_54 = vector.shape_cast %get3A_53 : vector<1x1x2048xf32> to vector<1x2048xf32>
    %get3A_55 = arith.constant 0 : index
    %get3A_56 = arith.constant 0 : index
    %get3A_57 = arith.constant 0 : index
    %get3A_58 = vector.load %arg1[%get3A_55, %get3A_56, %get3A_57] : memref<4x2048x1xf32, #tpu.memory_space<vmem>>, vector<1x2048x1xf32>
    %get3A_59 = vector.shape_cast %get3A_58 : vector<1x2048x1xf32> to vector<2048x1xf32>
    %dot_general3A_60 = arith.constant dense<0.000000e+00> : vector<1x1xf32>
    %dot_general3A_61 = tpu.matmul %get3A_54, %get3A_59, %dot_general3A_60 {dimension_numbers = #tpu.dot_dimension_numbers<[1], [0], [0], [1], [0, 0, 1, 1], [], []>, transpose_lhs_hint = false} : vector<1x2048xf32>, vector<2048x1xf32>, vector<1x1xf32> -> vector<1x1xf32>
    %add3A_62 = arith.addf %add3A_49, %dot_general3A_61 : vector<1x1xf32>
    %get3A_63 = arith.constant 1 : index
    %get3A_64 = arith.constant 1 : index
    %get3A_65 = arith.constant 0 : index
    %get3A_66 = vector.load %arg4[%get3A_63, %get3A_64, %get3A_65] : memref<4x4x2048xf32, #tpu.memory_space<vmem>>, vector<1x1x2048xf32>
    %get3A_67 = vector.shape_cast %get3A_66 : vector<1x1x2048xf32> to vector<1x2048xf32>
    %get3A_68 = arith.constant 1 : index
    %get3A_69 = arith.constant 0 : index
    %get3A_70 = arith.constant 0 : index
    %get3A_71 = vector.load %arg1[%get3A_68, %get3A_69, %get3A_70] : memref<4x2048x1xf32, #tpu.memory_space<vmem>>, vector<1x2048x1xf32>
    %get3A_72 = vector.shape_cast %get3A_71 : vector<1x2048x1xf32> to vector<2048x1xf32>
    %dot_general3A_73 = arith.constant dense<0.000000e+00> : vector<1x1xf32>
    %dot_general3A_74 = tpu.matmul %get3A_67, %get3A_72, %dot_general3A_73 {dimension_numbers = #tpu.dot_dimension_numbers<[1], [0], [0], [1], [0, 0, 1, 1], [], []>, transpose_lhs_hint = false} : vector<1x2048xf32>, vector<2048x1xf32>, vector<1x1xf32> -> vector<1x1xf32>
    %add3A_75 = arith.addf %add3A_62, %dot_general3A_74 : vector<1x1xf32>
    %get3A_76 = arith.constant 1 : index
    %get3A_77 = arith.constant 2 : index
    %get3A_78 = arith.constant 0 : index
    %get3A_79 = vector.load %arg4[%get3A_76, %get3A_77, %get3A_78] : memref<4x4x2048xf32, #tpu.memory_space<vmem>>, vector<1x1x2048xf32>
    %get3A_80 = vector.shape_cast %get3A_79 : vector<1x1x2048xf32> to vector<1x2048xf32>
    %get3A_81 = arith.constant 2 : index
    %get3A_82 = arith.constant 0 : index
    %get3A_83 = arith.constant 0 : index
    %get3A_84 = vector.load %arg1[%get3A_81, %get3A_82, %get3A_83] : memref<4x2048x1xf32, #tpu.memory_space<vmem>>, vector<1x2048x1xf32>
    %get3A_85 = vector.shape_cast %get3A_84 : vector<1x2048x1xf32> to vector<2048x1xf32>
    %dot_general3A_86 = arith.constant dense<0.000000e+00> : vector<1x1xf32>
    %dot_general3A_87 = tpu.matmul %get3A_80, %get3A_85, %dot_general3A_86 {dimension_numbers = #tpu.dot_dimension_numbers<[1], [0], [0], [1], [0, 0, 1, 1], [], []>, transpose_lhs_hint = false} : vector<1x2048xf32>, vector<2048x1xf32>, vector<1x1xf32> -> vector<1x1xf32>
    %add3A_88 = arith.addf %add3A_75, %dot_general3A_87 : vector<1x1xf32>
    %get3A_89 = arith.constant 1 : index
    %get3A_90 = arith.constant 3 : index
    %get3A_91 = arith.constant 0 : index
    %get3A_92 = vector.load %arg4[%get3A_89, %get3A_90, %get3A_91] : memref<4x4x2048xf32, #tpu.memory_space<vmem>>, vector<1x1x2048xf32>
    %get3A_93 = vector.shape_cast %get3A_92 : vector<1x1x2048xf32> to vector<1x2048xf32>
    %get3A_94 = arith.constant 3 : index
    %get3A_95 = arith.constant 0 : index
    %get3A_96 = arith.constant 0 : index
    %get3A_97 = vector.load %arg1[%get3A_94, %get3A_95, %get3A_96] : memref<4x2048x1xf32, #tpu.memory_space<vmem>>, vector<1x2048x1xf32>
    %get3A_98 = vector.shape_cast %get3A_97 : vector<1x2048x1xf32> to vector<2048x1xf32>
    %dot_general3A_99 = arith.constant dense<0.000000e+00> : vector<1x1xf32>
    %dot_general3A_100 = tpu.matmul %get3A_93, %get3A_98, %dot_general3A_99 {dimension_numbers = #tpu.dot_dimension_numbers<[1], [0], [0], [1], [0, 0, 1, 1], [], []>, transpose_lhs_hint = false} : vector<1x2048xf32>, vector<2048x1xf32>, vector<1x1xf32> -> vector<1x1xf32>
    %add3A_101 = arith.addf %add3A_88, %dot_general3A_100 : vector<1x1xf32>
    %get3A_102 = arith.constant 2 : index
    %get3A_103 = arith.constant 0 : index
    %get3A_104 = arith.constant 0 : index
    %get3A_105 = vector.load %arg4[%get3A_102, %get3A_103, %get3A_104] : memref<4x4x2048xf32, #tpu.memory_space<vmem>>, vector<1x1x2048xf32>
    %get3A_106 = vector.shape_cast %get3A_105 : vector<1x1x2048xf32> to vector<1x2048xf32>
    %get3A_107 = arith.constant 0 : index
    %get3A_108 = arith.constant 0 : index
    %get3A_109 = arith.constant 0 : index
    %get3A_110 = vector.load %arg2[%get3A_107, %get3A_108, %get3A_109] : memref<4x2048x1xf32, #tpu.memory_space<vmem>>, vector<1x2048x1xf32>
    %get3A_111 = vector.shape_cast %get3A_110 : vector<1x2048x1xf32> to vector<2048x1xf32>
    %dot_general3A_112 = arith.constant dense<0.000000e+00> : vector<1x1xf32>
    %dot_general3A_113 = tpu.matmul %get3A_106, %get3A_111, %dot_general3A_112 {dimension_numbers = #tpu.dot_dimension_numbers<[1], [0], [0], [1], [0, 0, 1, 1], [], []>, transpose_lhs_hint = false} : vector<1x2048xf32>, vector<2048x1xf32>, vector<1x1xf32> -> vector<1x1xf32>
    %add3A_114 = arith.addf %add3A_101, %dot_general3A_113 : vector<1x1xf32>
    %get3A_115 = arith.constant 2 : index
    %get3A_116 = arith.constant 1 : index
    %get3A_117 = arith.constant 0 : index
    %get3A_118 = vector.load %arg4[%get3A_115, %get3A_116, %get3A_117] : memref<4x4x2048xf32, #tpu.memory_space<vmem>>, vector<1x1x2048xf32>
    %get3A_119 = vector.shape_cast %get3A_118 : vector<1x1x2048xf32> to vector<1x2048xf32>
    %get3A_120 = arith.constant 1 : index
    %get3A_121 = arith.constant 0 : index
    %get3A_122 = arith.constant 0 : index
    %get3A_123 = vector.load %arg2[%get3A_120, %get3A_121, %get3A_122] : memref<4x2048x1xf32, #tpu.memory_space<vmem>>, vector<1x2048x1xf32>
    %get3A_124 = vector.shape_cast %get3A_123 : vector<1x2048x1xf32> to vector<2048x1xf32>
    %dot_general3A_125 = arith.constant dense<0.000000e+00> : vector<1x1xf32>
    %dot_general3A_126 = tpu.matmul %get3A_119, %get3A_124, %dot_general3A_125 {dimension_numbers = #tpu.dot_dimension_numbers<[1], [0], [0], [1], [0, 0, 1, 1], [], []>, transpose_lhs_hint = false} : vector<1x2048xf32>, vector<2048x1xf32>, vector<1x1xf32> -> vector<1x1xf32>
    %add3A_127 = arith.addf %add3A_114, %dot_general3A_126 : vector<1x1xf32>
    %get3A_128 = arith.constant 2 : index
    %get3A_129 = arith.constant 2 : index
    %get3A_130 = arith.constant 0 : index
    %get3A_131 = vector.load %arg4[%get3A_128, %get3A_129, %get3A_130] : memref<4x4x2048xf32, #tpu.memory_space<vmem>>, vector<1x1x2048xf32>
    %get3A_132 = vector.shape_cast %get3A_131 : vector<1x1x2048xf32> to vector<1x2048xf32>
    %get3A_133 = arith.constant 2 : index
    %get3A_134 = arith.constant 0 : index
    %get3A_135 = arith.constant 0 : index
    %get3A_136 = vector.load %arg2[%get3A_133, %get3A_134, %get3A_135] : memref<4x2048x1xf32, #tpu.memory_space<vmem>>, vector<1x2048x1xf32>
    %get3A_137 = vector.shape_cast %get3A_136 : vector<1x2048x1xf32> to vector<2048x1xf32>
    %dot_general3A_138 = arith.constant dense<0.000000e+00> : vector<1x1xf32>
    %dot_general3A_139 = tpu.matmul %get3A_132, %get3A_137, %dot_general3A_138 {dimension_numbers = #tpu.dot_dimension_numbers<[1], [0], [0], [1], [0, 0, 1, 1], [], []>, transpose_lhs_hint = false} : vector<1x2048xf32>, vector<2048x1xf32>, vector<1x1xf32> -> vector<1x1xf32>
    %add3A_140 = arith.addf %add3A_127, %dot_general3A_139 : vector<1x1xf32>
    %get3A_141 = arith.constant 2 : index
    %get3A_142 = arith.constant 3 : index
    %get3A_143 = arith.constant 0 : index
    %get3A_144 = vector.load %arg4[%get3A_141, %get3A_142, %get3A_143] : memref<4x4x2048xf32, #tpu.memory_space<vmem>>, vector<1x1x2048xf32>
    %get3A_145 = vector.shape_cast %get3A_144 : vector<1x1x2048xf32> to vector<1x2048xf32>
    %get3A_146 = arith.constant 3 : index
    %get3A_147 = arith.constant 0 : index
    %get3A_148 = arith.constant 0 : index
    %get3A_149 = vector.load %arg2[%get3A_146, %get3A_147, %get3A_148] : memref<4x2048x1xf32, #tpu.memory_space<vmem>>, vector<1x2048x1xf32>
    %get3A_150 = vector.shape_cast %get3A_149 : vector<1x2048x1xf32> to vector<2048x1xf32>
    %dot_general3A_151 = arith.constant dense<0.000000e+00> : vector<1x1xf32>
    %dot_general3A_152 = tpu.matmul %get3A_145, %get3A_150, %dot_general3A_151 {dimension_numbers = #tpu.dot_dimension_numbers<[1], [0], [0], [1], [0, 0, 1, 1], [], []>, transpose_lhs_hint = false} : vector<1x2048xf32>, vector<2048x1xf32>, vector<1x1xf32> -> vector<1x1xf32>
    %add3A_153 = arith.addf %add3A_140, %dot_general3A_152 : vector<1x1xf32>
    %get3A_154 = arith.constant 3 : index
    %get3A_155 = arith.constant 0 : index
    %get3A_156 = arith.constant 0 : index
    %get3A_157 = vector.load %arg4[%get3A_154, %get3A_155, %get3A_156] : memref<4x4x2048xf32, #tpu.memory_space<vmem>>, vector<1x1x2048xf32>
    %get3A_158 = vector.shape_cast %get3A_157 : vector<1x1x2048xf32> to vector<1x2048xf32>
    %get3A_159 = arith.constant 0 : index
    %get3A_160 = arith.constant 0 : index
    %get3A_161 = arith.constant 0 : index
    %get3A_162 = vector.load %arg3[%get3A_159, %get3A_160, %get3A_161] : memref<4x2048x1xf32, #tpu.memory_space<vmem>>, vector<1x2048x1xf32>
    %get3A_163 = vector.shape_cast %get3A_162 : vector<1x2048x1xf32> to vector<2048x1xf32>
    %dot_general3A_164 = arith.constant dense<0.000000e+00> : vector<1x1xf32>
    %dot_general3A_165 = tpu.matmul %get3A_158, %get3A_163, %dot_general3A_164 {dimension_numbers = #tpu.dot_dimension_numbers<[1], [0], [0], [1], [0, 0, 1, 1], [], []>, transpose_lhs_hint = false} : vector<1x2048xf32>, vector<2048x1xf32>, vector<1x1xf32> -> vector<1x1xf32>
    %add3A_166 = arith.addf %add3A_153, %dot_general3A_165 : vector<1x1xf32>
    %get3A_167 = arith.constant 3 : index
    %get3A_168 = arith.constant 1 : index
    %get3A_169 = arith.constant 0 : index
    %get3A_170 = vector.load %arg4[%get3A_167, %get3A_168, %get3A_169] : memref<4x4x2048xf32, #tpu.memory_space<vmem>>, vector<1x1x2048xf32>
    %get3A_171 = vector.shape_cast %get3A_170 : vector<1x1x2048xf32> to vector<1x2048xf32>
    %get3A_172 = arith.constant 1 : index
    %get3A_173 = arith.constant 0 : index
    %get3A_174 = arith.constant 0 : index
    %get3A_175 = vector.load %arg3[%get3A_172, %get3A_173, %get3A_174] : memref<4x2048x1xf32, #tpu.memory_space<vmem>>, vector<1x2048x1xf32>
    %get3A_176 = vector.shape_cast %get3A_175 : vector<1x2048x1xf32> to vector<2048x1xf32>
    %dot_general3A_177 = arith.constant dense<0.000000e+00> : vector<1x1xf32>
    %dot_general3A_178 = tpu.matmul %get3A_171, %get3A_176, %dot_general3A_177 {dimension_numbers = #tpu.dot_dimension_numbers<[1], [0], [0], [1], [0, 0, 1, 1], [], []>, transpose_lhs_hint = false} : vector<1x2048xf32>, vector<2048x1xf32>, vector<1x1xf32> -> vector<1x1xf32>
    %add3A_179 = arith.addf %add3A_166, %dot_general3A_178 : vector<1x1xf32>
    %get3A_180 = arith.constant 3 : index
    %get3A_181 = arith.constant 2 : index
    %get3A_182 = arith.constant 0 : index
    %get3A_183 = vector.load %arg4[%get3A_180, %get3A_181, %get3A_182] : memref<4x4x2048xf32, #tpu.memory_space<vmem>>, vector<1x1x2048xf32>
    %get3A_184 = vector.shape_cast %get3A_183 : vector<1x1x2048xf32> to vector<1x2048xf32>
    %get3A_185 = arith.constant 2 : index
    %get3A_186 = arith.constant 0 : index
    %get3A_187 = arith.constant 0 : index
    %get3A_188 = vector.load %arg3[%get3A_185, %get3A_186, %get3A_187] : memref<4x2048x1xf32, #tpu.memory_space<vmem>>, vector<1x2048x1xf32>
    %get3A_189 = vector.shape_cast %get3A_188 : vector<1x2048x1xf32> to vector<2048x1xf32>
    %dot_general3A_190 = arith.constant dense<0.000000e+00> : vector<1x1xf32>
    %dot_general3A_191 = tpu.matmul %get3A_184, %get3A_189, %dot_general3A_190 {dimension_numbers = #tpu.dot_dimension_numbers<[1], [0], [0], [1], [0, 0, 1, 1], [], []>, transpose_lhs_hint = false} : vector<1x2048xf32>, vector<2048x1xf32>, vector<1x1xf32> -> vector<1x1xf32>
    %add3A_192 = arith.addf %add3A_179, %dot_general3A_191 : vector<1x1xf32>
    %get3A_193 = arith.constant 3 : index
    %get3A_194 = arith.constant 3 : index
    %get3A_195 = arith.constant 0 : index
    %get3A_196 = vector.load %arg4[%get3A_193, %get3A_194, %get3A_195] : memref<4x4x2048xf32, #tpu.memory_space<vmem>>, vector<1x1x2048xf32>
    %get3A_197 = vector.shape_cast %get3A_196 : vector<1x1x2048xf32> to vector<1x2048xf32>
    %get3A_198 = arith.constant 3 : index
    %get3A_199 = arith.constant 0 : index
    %get3A_200 = arith.constant 0 : index
    %get3A_201 = vector.load %arg3[%get3A_198, %get3A_199, %get3A_200] : memref<4x2048x1xf32, #tpu.memory_space<vmem>>, vector<1x2048x1xf32>
    %get3A_202 = vector.shape_cast %get3A_201 : vector<1x2048x1xf32> to vector<2048x1xf32>
    %dot_general3A_203 = arith.constant dense<0.000000e+00> : vector<1x1xf32>
    %dot_general3A_204 = tpu.matmul %get3A_197, %get3A_202, %dot_general3A_203 {dimension_numbers = #tpu.dot_dimension_numbers<[1], [0], [0], [1], [0, 0, 1, 1], [], []>, transpose_lhs_hint = false} : vector<1x2048xf32>, vector<2048x1xf32>, vector<1x1xf32> -> vector<1x1xf32>
    %add3A_205 = arith.addf %add3A_192, %dot_general3A_204 : vector<1x1xf32>
    %mul3A = arith.constant -1.22070313E-4 : f32
    %mul3A_206 = vector.broadcast %mul3A : f32 to vector<1x1xf32>
    %mul3A_207 = arith.mulf %add3A_205, %mul3A_206 : vector<1x1xf32>
    %swap3A = arith.constant 0 : index
    %swap3A_208 = arith.constant 0 : index
    %swap3A_209 = vector.load %arg5[%swap3A, %swap3A_208] : memref<1x1xf32, #tpu.memory_space<vmem>>, vector<1x1xf32>
    tpu.vector_store %arg5[%swap3A, %swap3A_208], %mul3A_207 {strides = array<i32>} : memref<1x1xf32, #tpu.memory_space<vmem>>, vector<1x1xf32>,
    return
  }
}

module attributes {stable_mosaic.version = 14 : i64} {
  func.func @_stats_body(%arg0: i32, %arg1: i32, %arg2: memref<1x512x2048xf32, #tpu.memory_space<vmem>>, %arg3: memref<1x512x1xf32, #tpu.memory_space<vmem>>, %arg4: memref<1x512x1xf32, #tpu.memory_space<vmem>>, %arg5: memref<1x512x1xf32, #tpu.memory_space<vmem>>, %arg6: memref<1x512x1xf32, #tpu.memory_space<vmem>>) attributes {dimension_semantics = [#tpu.dimension_semantics<arbitrary>, #tpu.dimension_semantics<arbitrary>], iteration_bounds = array<i64: 4, 4>, scalar_prefetch = 0 : i64, scratch_operands = 0 : i64, tpu.core_type = #tpu.core_type<tc>, window_params = [{transform_indices = @transform_0, window_bounds = array<i64: 1, 512, 2048>}, {transform_indices = @transform_1, window_bounds = array<i64: 1, 512, 1>}, {transform_indices = @transform_2, window_bounds = array<i64: 1, 512, 1>}, {transform_indices = @transform_3, window_bounds = array<i64: 1, 512, 1>}, {transform_indices = @transform_4, window_bounds = array<i64: 1, 512, 1>}]} {
    %get3A = arith.constant 0 : index
    %get3A_0 = arith.constant 0 : index
    %get3A_1 = arith.constant 0 : index
    %get3A_2 = vector.load %arg2[%get3A, %get3A_0, %get3A_1] : memref<1x512x2048xf32, #tpu.memory_space<vmem>>, vector<1x512x2048xf32>
    %get3A_3 = vector.shape_cast %get3A_2 : vector<1x512x2048xf32> to vector<512x2048xf32>
    %slice3A = vector.extract_strided_slice %get3A_3 {offsets = [0, 0], sizes = [512, 512], strides = [1, 1]} : vector<512x2048xf32> to vector<512x512xf32>
    %exp3A = math.exp %slice3A : vector<512x512xf32>
    %reduce_sum3A = arith.constant dense<0.000000e+00> : vector<512xf32>
    %reduce_sum3A_4 = vector.multi_reduction <add>, %exp3A, %reduce_sum3A [1] : vector<512x512xf32> to vector<512xf32>
    %broadcast_in_dim3A = vector.shape_cast %reduce_sum3A_4 : vector<512xf32> to vector<512x1xf32>
    %log3A = math.log %broadcast_in_dim3A : vector<512x1xf32>
    %reduce_sum3A_5 = arith.constant dense<0.000000e+00> : vector<512xf32>
    %reduce_sum3A_6 = vector.multi_reduction <add>, %slice3A, %reduce_sum3A_5 [1] : vector<512x512xf32> to vector<512xf32>
    %broadcast_in_dim3A_7 = vector.shape_cast %reduce_sum3A_6 : vector<512xf32> to vector<512x1xf32>
    %slice3A_8 = vector.extract_strided_slice %slice3A {offsets = [0, 0], sizes = [512, 1], strides = [1, 1]} : vector<512x512xf32> to vector<512x1xf32>
    %sub3A = arith.subf %slice3A_8, %log3A : vector<512x1xf32>
    %sub3A_9 = arith.subf %broadcast_in_dim3A_7, %slice3A_8 : vector<512x1xf32>
    %mul3A = arith.constant 5.110000e+02 : f32
    %mul3A_10 = vector.broadcast %mul3A : f32 to vector<512x1xf32>
    %mul3A_11 = arith.mulf %mul3A_10, %log3A : vector<512x1xf32>
    %sub3A_12 = arith.subf %sub3A_9, %mul3A_11 : vector<512x1xf32>
    %slice3A_13 = vector.extract_strided_slice %get3A_3 {offsets = [0, 512], sizes = [512, 512], strides = [1, 1]} : vector<512x2048xf32> to vector<512x512xf32>
    %exp3A_14 = math.exp %slice3A_13 : vector<512x512xf32>
    %reduce_sum3A_15 = arith.constant dense<0.000000e+00> : vector<512xf32>
    %reduce_sum3A_16 = vector.multi_reduction <add>, %exp3A_14, %reduce_sum3A_15 [1] : vector<512x512xf32> to vector<512xf32>
    %broadcast_in_dim3A_17 = vector.shape_cast %reduce_sum3A_16 : vector<512xf32> to vector<512x1xf32>
    %log3A_18 = math.log %broadcast_in_dim3A_17 : vector<512x1xf32>
    %reduce_sum3A_19 = arith.constant dense<0.000000e+00> : vector<512xf32>
    %reduce_sum3A_20 = vector.multi_reduction <add>, %slice3A_13, %reduce_sum3A_19 [1] : vector<512x512xf32> to vector<512xf32>
    %broadcast_in_dim3A_21 = vector.shape_cast %reduce_sum3A_20 : vector<512xf32> to vector<512x1xf32>
    %slice3A_22 = vector.extract_strided_slice %slice3A_13 {offsets = [0, 0], sizes = [512, 1], strides = [1, 1]} : vector<512x512xf32> to vector<512x1xf32>
    %sub3A_23 = arith.subf %slice3A_22, %log3A_18 : vector<512x1xf32>
    %sub3A_24 = arith.subf %broadcast_in_dim3A_21, %slice3A_22 : vector<512x1xf32>
    %mul3A_25 = arith.constant 5.110000e+02 : f32
    %mul3A_26 = vector.broadcast %mul3A_25 : f32 to vector<512x1xf32>
    %mul3A_27 = arith.mulf %mul3A_26, %log3A_18 : vector<512x1xf32>
    %sub3A_28 = arith.subf %sub3A_24, %mul3A_27 : vector<512x1xf32>
    %slice3A_29 = vector.extract_strided_slice %get3A_3 {offsets = [0, 1024], sizes = [512, 512], strides = [1, 1]} : vector<512x2048xf32> to vector<512x512xf32>
    %exp3A_30 = math.exp %slice3A_29 : vector<512x512xf32>
    %reduce_sum3A_31 = arith.constant dense<0.000000e+00> : vector<512xf32>
    %reduce_sum3A_32 = vector.multi_reduction <add>, %exp3A_30, %reduce_sum3A_31 [1] : vector<512x512xf32> to vector<512xf32>
    %broadcast_in_dim3A_33 = vector.shape_cast %reduce_sum3A_32 : vector<512xf32> to vector<512x1xf32>
    %log3A_34 = math.log %broadcast_in_dim3A_33 : vector<512x1xf32>
    %reduce_sum3A_35 = arith.constant dense<0.000000e+00> : vector<512xf32>
    %reduce_sum3A_36 = vector.multi_reduction <add>, %slice3A_29, %reduce_sum3A_35 [1] : vector<512x512xf32> to vector<512xf32>
    %broadcast_in_dim3A_37 = vector.shape_cast %reduce_sum3A_36 : vector<512xf32> to vector<512x1xf32>
    %slice3A_38 = vector.extract_strided_slice %slice3A_29 {offsets = [0, 0], sizes = [512, 1], strides = [1, 1]} : vector<512x512xf32> to vector<512x1xf32>
    %sub3A_39 = arith.subf %slice3A_38, %log3A_34 : vector<512x1xf32>
    %sub3A_40 = arith.subf %broadcast_in_dim3A_37, %slice3A_38 : vector<512x1xf32>
    %mul3A_41 = arith.constant 5.110000e+02 : f32
    %mul3A_42 = vector.broadcast %mul3A_41 : f32 to vector<512x1xf32>
    %mul3A_43 = arith.mulf %mul3A_42, %log3A_34 : vector<512x1xf32>
    %sub3A_44 = arith.subf %sub3A_40, %mul3A_43 : vector<512x1xf32>
    %slice3A_45 = vector.extract_strided_slice %get3A_3 {offsets = [0, 1536], sizes = [512, 512], strides = [1, 1]} : vector<512x2048xf32> to vector<512x512xf32>
    %exp3A_46 = math.exp %slice3A_45 : vector<512x512xf32>
    %reduce_sum3A_47 = arith.constant dense<0.000000e+00> : vector<512xf32>
    %reduce_sum3A_48 = vector.multi_reduction <add>, %exp3A_46, %reduce_sum3A_47 [1] : vector<512x512xf32> to vector<512xf32>
    %broadcast_in_dim3A_49 = vector.shape_cast %reduce_sum3A_48 : vector<512xf32> to vector<512x1xf32>
    %log3A_50 = math.log %broadcast_in_dim3A_49 : vector<512x1xf32>
    %reduce_sum3A_51 = arith.constant dense<0.000000e+00> : vector<512xf32>
    %reduce_sum3A_52 = vector.multi_reduction <add>, %slice3A_45, %reduce_sum3A_51 [1] : vector<512x512xf32> to vector<512xf32>
    %broadcast_in_dim3A_53 = vector.shape_cast %reduce_sum3A_52 : vector<512xf32> to vector<512x1xf32>
    %slice3A_54 = vector.extract_strided_slice %slice3A_45 {offsets = [0, 0], sizes = [512, 1], strides = [1, 1]} : vector<512x512xf32> to vector<512x1xf32>
    %sub3A_55 = arith.subf %slice3A_54, %log3A_50 : vector<512x1xf32>
    %sub3A_56 = arith.subf %broadcast_in_dim3A_53, %slice3A_54 : vector<512x1xf32>
    %mul3A_57 = arith.constant 5.110000e+02 : f32
    %mul3A_58 = vector.broadcast %mul3A_57 : f32 to vector<512x1xf32>
    %mul3A_59 = arith.mulf %mul3A_58, %log3A_50 : vector<512x1xf32>
    %sub3A_60 = arith.subf %sub3A_56, %mul3A_59 : vector<512x1xf32>
    %add3A = arith.addf %sub3A, %sub3A_39 : vector<512x1xf32>
    %reshape3A = vector.shape_cast %add3A : vector<512x1xf32> to vector<1x512x1xf32>
    %swap3A = arith.constant 0 : index
    %swap3A_61 = arith.constant 0 : index
    %swap3A_62 = arith.constant 0 : index
    %swap3A_63 = vector.load %arg3[%swap3A, %swap3A_61, %swap3A_62] : memref<1x512x1xf32, #tpu.memory_space<vmem>>, vector<1x512x1xf32>
    tpu.vector_store %arg3[%swap3A, %swap3A_61, %swap3A_62], %reshape3A {strides = array<i32>} : memref<1x512x1xf32, #tpu.memory_space<vmem>>, vector<1x512x1xf32>,
    %add3A_64 = arith.addf %sub3A_12, %sub3A_44 : vector<512x1xf32>
    %reshape3A_65 = vector.shape_cast %add3A_64 : vector<512x1xf32> to vector<1x512x1xf32>
    %swap3A_66 = arith.constant 0 : index
    %swap3A_67 = arith.constant 0 : index
    %swap3A_68 = arith.constant 0 : index
    %swap3A_69 = vector.load %arg4[%swap3A_66, %swap3A_67, %swap3A_68] : memref<1x512x1xf32, #tpu.memory_space<vmem>>, vector<1x512x1xf32>
    tpu.vector_store %arg4[%swap3A_66, %swap3A_67, %swap3A_68], %reshape3A_65 {strides = array<i32>} : memref<1x512x1xf32, #tpu.memory_space<vmem>>, vector<1x512x1xf32>,
    %add3A_70 = arith.addf %sub3A_23, %sub3A_55 : vector<512x1xf32>
    %reshape3A_71 = vector.shape_cast %add3A_70 : vector<512x1xf32> to vector<1x512x1xf32>
    %swap3A_72 = arith.constant 0 : index
    %swap3A_73 = arith.constant 0 : index
    %swap3A_74 = arith.constant 0 : index
    %swap3A_75 = vector.load %arg5[%swap3A_72, %swap3A_73, %swap3A_74] : memref<1x512x1xf32, #tpu.memory_space<vmem>>, vector<1x512x1xf32>
    tpu.vector_store %arg5[%swap3A_72, %swap3A_73, %swap3A_74], %reshape3A_71 {strides = array<i32>} : memref<1x512x1xf32, #tpu.memory_space<vmem>>, vector<1x512x1xf32>,
    %add3A_76 = arith.addf %sub3A_28, %sub3A_60 : vector<512x1xf32>
    %reshape3A_77 = vector.shape_cast %add3A_76 : vector<512x1xf32> to vector<1x512x1xf32>
    %swap3A_78 = arith.constant 0 : index
    %swap3A_79 = arith.constant 0 : index
    %swap3A_80 = arith.constant 0 : index
    %swap3A_81 = vector.load %arg6[%swap3A_78, %swap3A_79, %swap3A_80] : memref<1x512x1xf32, #tpu.memory_space<vmem>>, vector<1x512x1xf32>
    tpu.vector_store %arg6[%swap3A_78, %swap3A_79, %swap3A_80], %reshape3A_77 {strides = array<i32>} : memref<1x512x1xf32, #tpu.memory_space<vmem>>, vector<1x512x1xf32>,
    return
  }
  func.func @transform_0(%arg0: i32, %arg1: i32) -> (i32, i32, i32) {
    %c0_i32 = arith.constant 0 : i32
    %c0_i32_0 = arith.constant 0 : i32
    return %arg0, %arg1, %c0_i32 : i32, i32, i32
  }
  func.func @transform_1(%arg0: i32, %arg1: i32) -> (i32, i32, i32) {
    %c0_i32 = arith.constant 0 : i32
    %c0_i32_0 = arith.constant 0 : i32
    return %arg0, %arg1, %c0_i32 : i32, i32, i32
  }
  func.func @transform_2(%arg0: i32, %arg1: i32) -> (i32, i32, i32) {
    %c0_i32 = arith.constant 0 : i32
    %c0_i32_0 = arith.constant 0 : i32
    return %arg0, %arg1, %c0_i32 : i32, i32, i32
  }
  func.func @transform_3(%arg0: i32, %arg1: i32) -> (i32, i32, i32) {
    %c0_i32 = arith.constant 0 : i32
    %c0_i32_0 = arith.constant 0 : i32
    return %arg0, %arg1, %c0_i32 : i32, i32, i32
  }
  func.func @transform_4(%arg0: i32, %arg1: i32) -> (i32, i32, i32) {
    %c0_i32 = arith.constant 0 : i32
    %c0_i32_0 = arith.constant 0 : i32
    return %arg0, %arg1, %c0_i32 : i32, i32, i32
  }
}

</mosaic_0001>

<sc_bundles>
// kernel: kernel.5.cloned.1.call-start
scs
__scs_entry_jumppad:
0x0: {  	(pc) =	sbr.rel $0x88, $3  }
0x1: {  	(tag) =	ssettag $0x0;
	lr =	simm.s32 $0x1  }
0x2: {  	[smem:$0x3F9F] =	sst lr;
	_ =	strace $0xD0000000  }
0x3: {  	_ = 	snop  }
0x4: {  	_ = 	snop  }
0x5: {  	_ = 	snop  }
0x6: {  	_ = 	snop  }
0x7: {  	_ = 	snop  }
__scs_overlays_trampoline_lowered:
0x8: {  	[smem:$0x3FAE] =	sst s0  }
0x9: {  	[smem:$0x3FAF] =	sst s1  }
0xa: {  	[smem:$0x3FB0] =	sst s2  }
0xb: {  	[smem:$0x3FB1] =	sst s3  }
0xc: {  	[smem:$0x3FB2] =	sst s4  }
0xd: {  	[smem:$0x3FB3] =	sst s5  }
0xe: {  	[smem:$0x3FB4] =	sst s6  }
0xf: {  	[smem:$0x3FB5] =	sst s7  }
0x10: {  	[smem:$0x3FB6] =	sst s8  }
0x11: {  	[smem:$0x3FB7] =	sst s9;
	s0 =	simm.s32 @!p0 $0x0  }
0x12: {  	s1 =	sld [smem:$0x3F9D];
	s0 =	simm.s32 @p0 $0x1  }
0x13: {  	[smem:$0x3FB8] =	sst s0;
	s0 =	simm.s32 @!p1 $0x0  }
0x14: {  	s2 =	sld [smem:$0x3F9C];
	s0 =	simm.s32 @p1 $0x1  }
0x15: {  	[smem:$0x3FB9] =	sst s0;
	s0 =	simm.s32 @!p2 $0x0  }
0x16: {  	s3 =	sld [smem:$0x3FDB];
	s0 =	simm.s32 @p2 $0x1  }
0x17: {  	s4 =	simm.s32 $0x1BF5;
	[smem:$0x3FBB] =	sst s0  }
0x18: {  	s0 =	sld [smem:$0x3F9E];
	_ =	swait.ge [sflag:s4], $0x0  }
0x19: {  	s7 =	sld [smem:$0x3F9F]  }
0x1a: {  	s8 =	sadd.s32 $0xFFFFE003, lr  }
0x1b: {  	s9 =	sadd.s32 $0xFFFFFEF7, lr;
	s5 =	simm.s32 $0xFFFFFFFF;
	p2 =	slt.u32 s8, $0xFFFFF086  }
0x1c: {  	p1 =	slt.u32 s9, $0xF7A;
	s5 =	simm.s32 @!p2 $0x0  }
0x1d: {  	s5 =	simm.s32 @p1 $0x1;
	p0 =	seq.s32 s7, s2  }
0x1e: {  	s7 =	smul.u32 @!p0 $0xF7A, s2;
	p2 =	seq.s32 @!p0 s5, $0x0  }
0x1f: {  	s9 =	smul.u32 $0xF7A, s1;
	s8 =	simm.s32 @!p0 $0x1BF5;
	p2 =	por !p2, p0  }
0x20: {  	[sflag:s8] =	ssyncset.s32 @!p0 $0xFFFFF086;
	s6 =	sadd.s32 @!p0 s3, s7;
	s7 =	simm.s32 @!p0 $0x108  }
0x21: {  	s3 =	sadd.s32 s3, s9;
	s6 =	sadd.s32 @!p0 $0x88, s6;
	s7 =	simm.s32 @p2 $0x1082  }
0x22: {  	[simem:s7], [sflag:s8] =	dma.local @!p0 [hbm:s6], $0xF7A  }
0x23: {  	s9 =	sor.u32 $0xD0000000, s2;
	s6 =	simm.s32 $0x108;
	_ =	swait.ge @!p0 [sflag:s8], $0x0  }
0x24: {  	s3 =	sadd.s32 $0x88, s3;
	s6 =	simm.s32 @!p1 $0x1082;
	[sflag:s4] =	ssyncset.s32 $0xFFFFF086  }
0x25: {  	[simem:s6], [sflag:s4] =	dma.local [hbm:s3], $0xF7A  }
0x26: {  	[smem:$0x3F9F] =	sst s1;
	(tag) =	ssettag s2;
	_ =	strace s9  }
0x27: {  	s1 =	sld [smem:$0x3FAF]  }
0x28: {  	s2 =	sld [smem:$0x3FB0]  }
0x29: {  	s4 =	sld [smem:$0x3FB2]  }
0x2a: {  	p0 =	seq.s32 s5, $0x0;
	s5 =	sld [smem:$0x3FB3]  }
0x2b: {  	s6 =	sld [smem:$0x3FB4]  }
0x2c: {  	s7 =	sld [smem:$0x3FB5]  }
0x2d: {  	s3 =	simm.s32 $0x108;
	s8 =	sld [smem:$0x3FB6]  }
0x2e: {  	s3 =	simm.s32 @!p0 $0x1082;
	s9 =	sld [smem:$0x3FB7]  }
0x2f: {  	lr =	sadd.s32 s0, s3;
	s0 =	sld [smem:$0x3FAE]  }
0x30: {  	s3 =	sld [smem:$0x3FB1]  }
0x31: {  	[smem:$0x3FBA] =	sst s10  }
0x32: {  	s10 =	sld [smem:$0x3FB8];
	_ =	sdelay $0x3  }
0x33: {  	p0 =	seq.s32 s10, $0x1;
	s10 =	sld [smem:$0x3FBA];
	_ =	sdelay $0x3  }
0x34: {  	[smem:$0x3FBA] =	sst s10  }
0x35: {  	s10 =	sld [smem:$0x3FB9];
	_ =	sdelay $0x3  }
0x36: {  	p1 =	seq.s32 s10, $0x1;
	s10 =	sld [smem:$0x3FBA];
	_ =	sdelay $0x3  }
0x37: {  	[smem:$0x3FBA] =	sst s10  }
0x38: {  	s10 =	sld [smem:$0x3FBB]  }
0x39: {  	_ = 	snop;
	(pc) =	sbr.ind lr, $3  }
0x3a: {  	_ = 	snop  }
0x3b: {  	_ = 	snop  }
0x3c: {  	p2 =	seq.s32 s10, $0x1;
	s10 =	sld [smem:$0x3FBA]  }
0x3d: {  	_ =	shalt  }
0x3e: {  	_ =	shalt  }
0x3f: {  	_ =	shalt  }
0x40: {  	_ =	shalt  }
0x41: {  	_ =	shalt  }
0x42: {  	_ =	shalt  }
0x43: {  	_ =	shalt  }
0x44: {  	_ =	shalt  }
0x45: {  	_ =	shalt  }
0x46: {  	_ =	shalt  }
0x47: {  	_ =	shalt  }
0x48: {  	_ =	shalt  }
0x49: {  	_ =	shalt  }
0x4a: {  	_ =	shalt  }
0x4b: {  	_ =	shalt  }
0x4c: {  	_ =	shalt  }
0x4d: {  	_ =	shalt  }
0x4e: {  	_ =	shalt  }
0x4f: {  	_ =	shalt  }
0x50: {  	_ =	shalt  }
0x51: {  	_ =	shalt  }
0x52: {  	_ =	shalt  }
0x53: {  	_ =	shalt  }
0x54: {  	_ =	shalt  }
0x55: {  	_ =	shalt  }
0x56: {  	_ =	shalt  }
0x57: {  	_ =	shalt  }
0x58: {  	_ =	shalt  }
0x59: {  	_ =	shalt  }
0x5a: {  	_ =	shalt  }
0x5b: {  	_ =	shalt  }
0x5c: {  	_ =	shalt  }
0x5d: {  	_ =	shalt  }
0x5e: {  	_ =	shalt  }
0x5f: {  	_ =	shalt  }
0x60: {  	_ =	shalt  }
0x61: {  	_ =	shalt  }
0x62: {  	_ =	shalt  }
0x63: {  	_ =	shalt  }
0x64: {  	_ =	shalt  }
0x65: {  	_ =	shalt  }
0x66: {  	_ =	shalt  }
0x67: {  	_ =	shalt  }
0x68: {  	_ =	shalt  }
0x69: {  	_ =	shalt  }
0x6a: {  	_ =	shalt  }
0x6b: {  	_ =	shalt  }
0x6c: {  	_ =	shalt  }
0x6d: {  	_ =	shalt  }
0x6e: {  	_ =	shalt  }
0x6f: {  	_ =	shalt  }
0x70: {  	_ =	shalt  }
0x71: {  	_ =	shalt  }
0x72: {  	_ =	shalt  }
0x73: {  	_ =	shalt  }
0x74: {  	_ =	shalt  }
0x75: {  	_ =	shalt  }
0x76: {  	_ =	shalt  }
0x77: {  	_ =	shalt  }
0x78: {  	_ =	shalt  }
0x79: {  	_ =	shalt  }
0x7a: {  	_ =	shalt  }
0x7b: {  	_ =	shalt  }
0x7c: {  	_ =	shalt  }
0x7d: {  	_ =	shalt  }
0x7e: {  	_ =	shalt  }
0x7f: {  	_ =	shalt  }
0x80: {  	_ =	shalt  }
0x81: {  	_ =	shalt  }
0x82: {  	_ =	shalt  }
0x83: {  	_ =	shalt  }
0x84: {  	_ =	shalt  }
0x85: {  	_ =	shalt  }
0x86: {  	_ =	shalt  }
0x87: {  	_ =	shalt  }
.Lfunc_end0:
.L_simem_size_0:
called_computation_lowered:
.L_overlay_start_0:
0x88: {  	s2 =	sld [smem:$0x3FD9]  }
0x89: {  	s3 =	sld [smem:$0x3FFE];
	_ =	sdelay $0x1  }
0x8a: {  	s1 =	srdreg.scid  }
0x8b: {  	s0 =	sand.u32 $0x1, s1  }
0x8c: {  	s16 =	sshll.u32 s0, $0xA;
	s2 =	sadd.s32 s3, s2  }
0x8d: {  	s2 =	sadd.s32 s2, s16  }
0x8e: {  	[smem:$0x3FC6] =	sst s2  }
0x8f: {  	_ = 	snop  }
0x90: {  	(tm) =	ssettm $0x1  }
0x91: {  	s17 =	sld [smem:$0x3FFB];
	_ =	sdelay $0x3  }
0x92: {  	_ =	strace s17  }
0x93: {  	s2 =	sld [smem:$0x3FFC];
	_ =	sdelay $0x3  }
0x94: {  	_ =	strace s2  }
0x95: {  	s2 =	sld [smem:$0x3FFD];
	_ =	sdelay $0x3  }
0x96: {  	_ =	strace s2  }
0x97: {  	_ =	strace $0x8FFFFFFF  }
0x98: {  	s18 =	sld [smem:$0x3FDB];
	_ =	sdelay $0x1  }
0x99: {  	s19 =	simm.s32 $_scs_section_size  }
0x9a: {  	s4 =	simm.s32 $_size__tile_overlayer_lowered;
	s5 =	simm.s32 $_tile_overlayer_lowered  }
0x9b: {  	s22 =	simm.s32 $0x1BFF;
	s21 =	sshll.u32 s5, $0x1;
	s2 =	sadd.s32 s19, s18  }
0x9c: {  	s6 =	simm.s32 $0x0;
	s20 =	sshll.u32 s4, $0x1;
	s4 =	sadd.s32 s21, s2  }
0x9d: {  	[timem:s6], [sflag:s22] =	dma.local [hbm:s4], s20  }
0x9e: {  	_ =	swait.ge [sflag:s22], s20  }
0x9f: {  	s3 =	ssub.s32 $0x0, s20;
	[sflag:s22] =	ssyncset.done $0x0  }
0xa0: {  	[sflag:s22] =	ssyncadd.s32 s3;
	_ =	sdelay $0x1  }
0xa1: {  	s23 =	simm.s32 $0x1B8B  }
0xa2: {  	_ =	swait.ge [sflag:s23], $0x1  }
0xa3: {  	[sflag:s23] =	ssyncset.done $0x0  }
0xa4: {  	s25 =	simm.s32 $0x1B8E;
	s24 =	sld [smem:$0x3FFE];
	[sflag:s23] =	ssyncadd.s32 $0xFFFFFFFF  }
0xa5: {  	s26 =	simm.s32 $execute0_lowered;
	[smem:$0x3FD2] =	sst s25  }
0xa6: {  	s4 =	sshll.u32 s26, $0x1;
	_ =	strace $0x80000046;
	[dreg:$0x1] =	wrdreg $0xFFFFFFFF  }
0xa7: {  	s28 =	simm.s32 $_size_execute0_lowered;
	s2 =	sadd.s32 s2, s4;
	[dreg:$0x0] =	wrdreg $0x0  }
0xa8: {  	s4 =	sshll.u32 s28, $0x1;
	[dreg:$0x2] =	wrdreg s2  }
0xa9: {  	[dreg:$0x3] =	wrdreg s4  }
0xaa: {  	[dreg:$0x4] =	wrdreg $0xC0  }
0xab: {  	_ =	task [dreg:s6], $0x5FFFF  }
0xac: {  	[dreg:$0x1] =	wrdreg $0xFFFFFFFF  }
0xad: {  	[dreg:$0x0] =	wrdreg $0x60  }
0xae: {  	[dreg:$0x2] =	wrdreg s24  }
0xaf: {  	[dreg:$0x3] =	wrdreg $0x9  }
0xb0: {  	_ =	task.clear_ibuf [dreg:s6], $0x4FFFF;
	_ =	strace $0x90000046  }
0xb1: {  	s29 =	simm.s32 $0x9;
	_ =	strace $0x80000048  }
0xb2: {  	_ =	swait.ge [sflag:s29], $0x1  }
0xb3: {  	[sflag:s29] =	ssyncadd.s32 $0xFFFFFFFF  }
0xb4: {  	_ =	strace $0x90000048  }
0xb5: {  	_ =	sfence  }
0xb6: {  	s30 =	sld [smem:$0x0];
	_ =	sdelay $0x2  }
0xb7: {  	s31 =	sshll.u32 s1, $0xD;
	s1 =	sshrl.u32 s1, $0x2  }
0xb8: {  	s3 =	sand.u32 $0x4000, s31;
	s1 =	sadd.s32 s1, s30  }
0xb9: {  	s0 =	sor.u32 s3, s0;
	s1 =	sshll.u32 s1, $0x11  }
0xba: {  	s0 =	sor.u32 s1, s0  }
0xbb: {  	s0 =	sadd.s32 $0x8F2B, s0  }
0xbc: {  	[sflag:s0] =	ssyncadd.remote.s32 $0x1  }
0xbd: {  	_ =	sfence.sel $0xFFFF  }
0xbe: {  	[dreg:$0x0] =	wrdreg $0xFFFFFFFF;
	(pc) =	sbr.abs _section_cstart, $3  }
0xbf: {  	[dreg:$0x1] =	wrdreg $0xFFFFFFFF  }
0xc0: {  	_ =	task.clear_ibuf [dreg:s6], $0x2FFFF;
	_ =	strace $0x9FFFFFFF  }
0xc1: {  	(tm) =	ssettm $0x7FFFFFFF  }
tec
execute0_lowered:
.L_overlay_start_1:
0x0: {  	(tag) =	ssettag $0x1  }
0x1: {  	s1 =	stileid.u32  }
0x2: {  	p0 =	sgt.u32 s1, $0x1  }
.Ltmp0:
0x3: {  	_ = 	snop;
	(pc) =	sbr.rel @p0 .LBB2_5-.Ltmp0, $4  }
0x4: {  	_ = 	snop  }
0x5: {  	s3 =	rddreg [dreg:$0x0];
	s2 =	simm.s32 $0x0  }
0x6: {  	[smem:$0x7FF] =	sst s2  }
0x7: {  	s0 =	rddreg [dreg:$0x1];
	_ =	strace $0x80000047  }
0x8: {  	v0 =	vlaneseq.u32;
	vm0 =	vcmask $0xF00  }
0x9: {  	v1 =	vimm.f32 $0.0e+00;
	vm1 =	vcmask $0x1F10;
	v3 =	vimm.s32 $0xFFEDCBA9  }
0xa: {  	vm11 =	vcmask $0x2F20;
	v6 =	vimm.s32 $0x87654321;
	vm12 =	vcmask $0x2F00  }
0xb: {  	v7 =	vimm.f32 $1.000000000e+00;
	v9 =	vimm.s32 $0x98765432;
	v11 =	vimm.s32 $0xBA987654  }
0xc: {  	vm2 =	vcmask $0x3B00;
	vm13 =	vcmask $0x3700;
	vm14 =	vcmask $0x1F00  }
0xd: {  	vm15 =	vcmask $0x300;
	v16 =	vimm.s32 $0x0;
	v5 =	vunpack.c.l.s4.s8 v3  }
0xe: {  	v0 =	vand.u32 $0x3, v0;
	v2 =	vsel vm0, $0x3F800000, v1;
	v6 =	vunpack.c.l.s4.s8 v6  }
0xf: {  	v3 =	vsel vm1, $0x3F800000, v1;
	v8 =	vunpack.c.0.s8.s32 v5;
	v5 =	vimm.s32 $0xFFFEDCBA  }
0x10: {  	v9 =	vunpack.c.l.s4.s8 v9;
	v6 =	vunpack.c.0.s8.s32 v6;
	v10 =	vunpack.c.l.s4.s8 v5  }
0x11: {  	v4 =	vsel vm11, $0x3F800000, v1;
	v5 =	vsel vm12, $0x0, v7;
	v7 =	vunpack.c.l.s4.s8 v11  }
0x12: {  	s4 =	srdreg.scid;
	s5 =	sshll.u32 s1, $0x5;
	s8 =	sadd.s32 $0x800, s3;
	v9 =	vunpack.c.0.s8.s32 v9;
	v12 =	vcombine.low v6, v8;
	v8 =	vunpack.c.0.s8.s32 v10  }
0x13: {  	s11 =	simm.s32 $0x1;
	s12 =	simm.s32 $0x2000;
	s4 =	sand.u32 $0x1, s4;
	v15 =	vsel vm15, $0x3F800000, v1;
	v10 =	vunpack.c.0.s8.s32 v7;
	v7 =	vimm.s32 $0xFEDCBA98  }
0x14: {  	s13 =	simm.s32 $0x2800;
	s14 =	simm.s32 $0x3000;
	v0 =	vmul.u32 $0x4, v0;
	s6 =	sshll.u32 s4, $0x4;
	v11 =	vcombine.low v9, v8;
	v8 =	vunpack.c.l.s4.s8 v7  }
0x15: {  	s15 =	simm.s32 $0x3800;
	s9 =	ssub.s32 $0x2, s4;
	s7 =	sor.u32 s6, s5;
	v6 =	vsel vm2, $0x3F800000, v1;
	v7 =	vsel vm13, $0x3F800000, v1;
	v9 =	vimm.s32 $0xF0E0D0C  }
0x16: {  	s16 =	simm.s32 $0x0;
	s10 =	sshrl.u32 s9, $0x1;
	s6 =	sadd.s32 s7, s3;
	v10 =	vand.u32 $0xF, v10;
	v13 =	vunpack.c.0.s8.s32 v9;
	v14 =	vunpack.c.0.s8.s32 v8  }
0x17: {  	s9 =	ssub.s32 s9, s10;
	s7 =	sadd.s32 s8, s7;
	s10 =	simm.s32 $0x200;
	v9 =	vand.u32 $0xF, v12;
	v12 =	vnsel vm14, $0xF, v10;
	v8 =	vor.u32 $0x3, v0  }
0x18: {  	s3 =	sadd.s32 $0x1800, s6;
	s4 =	sadd.s32 $0x1C00, s6;
	s5 =	sadd.s32 $0x2000, s6;
	v10 =	vand.u32 $0xF, v11;
	v11 =	vsel vm11, v13, v12;
	v13 =	vand.u32 $0xF, v14  }
0x19: {  	s6 =	sadd.s32 $0x2400, s6;
	s8 =	smax.u32 s9, $0x1;
	s9 =	simm.s32 $0x80;
	v12 =	vsel vm12, $0x3F800000, v1;
	v14 =	vsel vm14, $0x3F800000, v1;
	v13 =	vnsel vm14, $0xF, v13  }
.LBB2_2:
0x1a: {  	[tilespmem:s2], [sflag:$0x1] =	stream.strided.gather [hbm4b:s7+s9], $0x2000, s10, s9, $0x38;
	[tilespmem:$0x4000] =	vst v63  }
0x1b: {  	_ =	swait.ge [sflag:s11], $0x2000  }
0x1c: {  	[sflag:s11] =	ssyncset.done $0x0  }
0x1d: {  	s17 =	simm.s32 $0x1FF0;
	[sflag:s11] =	ssyncadd.s32 $0xFFFFE000  }
0x1e: {  	v17 =	vld [tilespmem:s17+$0xFFFFFFD0];
	_ =	sdelay $0x1  }
0x1f: {  	v18 =	vld [tilespmem:s17+$0xFFFFFFE0];
	_ =	sdelay $0x1  }
0x20: {  	v19 =	vld [tilespmem:s17+$0xFFFFFFF0]  }
0x21: {  	v20 =	vperm.xlane v17, v0  }
0x22: {  	v21 =	vld [tilespmem:s17+$0x0]  }
0x23: {  	v22 =	vperm.xlane v18, v0;
	v20 =	vmul.f32 v2, v20;
	_ =	sdelay $0x1  }
0x24: {  	v23 =	vperm.xlane v19, v0;
	v22 =	vmul.f32 v3, v22;
	v20 =	vadd.f32 $0.0e+00, v20;
	_ =	sdelay $0x1  }
0x25: {  	v20 =	vadd.f32 v22, v20;
	v22 =	vmul.f32 v4, v23;
	v23 =	vperm.xlane v21, v0;
	_ =	sdelay $0x1  }
0x26: {  	v20 =	vadd.f32 v22, v20;
	v22 =	vmul.f32 v5, v23;
	_ =	sdelay $0x1  }
0x27: {  	v20 =	vadd.f32 v22, v20;
	_ =	sdelay $0x1  }
0x28: {  	v17 =	vperm.xlane v17, v8;
	v20 =	vmul.f32 $-3.906250000e-03, v20  }
0x29: {  	v18 =	vperm.xlane v18, v8  }
0x2a: {  	v17 =	vmul.f32 v2, v17;
	v20 =	vmul.f32 $1.442695020e+00, v20  }
0x2b: {  	v19 =	vperm.xlane v19, v8  }
0x2c: {  	v18 =	vmul.f32 v3, v18;
	v17 =	vadd.f32 $0.0e+00, v17;
	(erf) = vpow2.f32 v20;
	_ =	sdelay $0x1  }
0x2d: {  	v17 =	vadd.f32 v18, v17;
	v18 =	vmul.f32 v4, v19;
	v19 =	vperm.xlane v21, v8;
	_ =	sdelay $0x1  }
0x2e: {  	v17 =	vadd.f32 v18, v17;
	v18 =	vmul.f32 v5, v19;
	_ =	sdelay $0x1  }
0x2f: {  	v17 =	vadd.f32 v18, v17;
	_ =	sdelay $0x1  }
0x30: {  	v18 =	vsub.f32 $1.000000000e+00, v17  }
0x31: {  	v19 =	vpop (erf)  }
0x32: {  	v20 =	vmul.f32 v18, v19  }
0x33: {  	v21 =	vmul.f32 v17, v19  }
0x34: {  	v22 =	vperm.xlane v20, v9  }
0x35: {  	v23 =	vperm.xlane v21, v9  }
0x36: {  	v22 =	vmul.f32 v6, v22  }
0x37: {  	v23 =	vmul.f32 v6, v23  }
0x38: {  	v22 =	vadd.f32 v20, v22  }
0x39: {  	v23 =	vadd.f32 v23, v21  }
0x3a: {  	v24 =	vperm.xlane v22, v10  }
0x3b: {  	v25 =	vperm.xlane v23, v10  }
0x3c: {  	v24 =	vmul.f32 v7, v24  }
0x3d: {  	v25 =	vmul.f32 v7, v25  }
0x3e: {  	v22 =	vadd.f32 v22, v24  }
0x3f: {  	v23 =	vadd.f32 v25, v23  }
0x40: {  	v24 =	vperm.xlane v22, v11  }
0x41: {  	v25 =	vperm.xlane v23, v11  }
0x42: {  	v24 =	vmul.f32 v12, v24  }
0x43: {  	v25 =	vmul.f32 v12, v25  }
0x44: {  	v22 =	vadd.f32 v22, v24  }
0x45: {  	v23 =	vadd.f32 v25, v23  }
0x46: {  	(erf) = vrcp.f32 v19;
	v19 =	vperm.xlane v22, v13  }
0x47: {  	v59 =	vperm.xlane v23, v13  }
0x48: {  	v19 =	vmul.f32 v14, v19  }
0x49: {  	v24 =	vmul.f32 v14, v59  }
0x4a: {  	v19 =	vadd.f32 v22, v19  }
0x4b: {  	v22 =	vadd.f32 v24, v23  }
0x4c: {  	v20 =	vsub.f32 v19, v20  }
0x4d: {  	v21 =	vsub.f32 v22, v21  }
0x4e: {  	v20 =	vadd.f32 v20, v1  }
0x4f: {  	v23 =	vpop (erf);
	v21 =	vadd.f32 v21, v1  }
0x50: {  	v20 =	vmul.f32 v20, v23  }
0x51: {  	v21 =	vmul.f32 v21, v23  }
0x52: {  	p0 =	por $0x0, $0x0;
	s18 =	simm.f32 $1.000000000e+00;
	v20 =	vadd.f32 v20, v18  }
0x53: {  	s18 =	simm.s32 @!p0 $0x0;
	v21 =	vadd.f32 v21, v17  }
0x54: {  	v23 =	vmul.f32 s18, v15;
	v60 =	vsub.f32 v18, v20  }
0x55: {  	v61 =	vsub.f32 v17, v21  }
0x56: {  	v24 =	vmul.f32 v60, v23  }
0x57: {  	v23 =	vmul.f32 v61, v23  }
0x58: {  	v20 =	vadd.f32 v24, v20  }
0x59: {  	v21 =	vadd.f32 v23, v21  }
0x5a: {  	v20 =	vsub.f32 $0.0e+00, v20  }
0x5b: {  	v21 =	vsub.f32 $0.0e+00, v21  }
0x5c: {  	v20 =	vmul.f32 $1.442695020e+00, v20  }
0x5d: {  	v21 =	vmul.f32 $1.442695020e+00, v21  }
0x5e: {  	(erf) = vpow2.f32 v20  }
0x5f: {  	(erf) = vpow2.f32 v21;
	_ =	sdelay $0x7  }
0x60: {  	v20 =	vpop (erf)  }
0x61: {  	v21 =	vmul.f32 $5.110000000e+02, v20;
	v23 =	vpop (erf)  }
0x62: {  	v62 =	vmul.f32 $5.110000000e+02, v23  }
0x63: {  	v21 =	vadd.f32 $1.000000000e+00, v21  }
0x64: {  	v24 =	vadd.f32 $1.000000000e+00, v62  }
0x65: {  	(erf) = vrcp.f32 v21  }
0x66: {  	(erf) = vrcp.f32 v24;
	_ =	sdelay $0x7  }
0x67: {  	v21 =	vpop (erf)  }
0x68: {  	v19 =	vperm.xlane v19, v16;
	v21 =	vmul.f32 v21, v18;
	v18 =	vpop (erf)  }
0x69: {  	s20 =	simm.s32 $0x7F0;
	v22 =	vperm.xlane v22, v16;
	v63 =	vmul.f32 v18, v17  }
0x6a: {  	v17 =	vadd.f32 v19, v1;
	[tilespmem:s20+$0x2000] =	vst v21  }
0x6b: {  	s18 =	simm.s32 $0x1F80;
	v18 =	vadd.f32 v22, v1;
	v20 =	vmul.f32 v21, v20;
	[tilespmem:s20+$0x3000] =	vst v63;
	v19 =	vmul.f32 v63, v23  }
.LBB2_3:
0x6c: {  	p0 =	sne.s32 s18, $0x0  }
0x6d: {  	[tilespmem:s20+$0x2800] =	vst v20;
	s17 =	sadd.s32 $0xFFFFFFC0, s17;
	s19 =	smov.u32 s18;
	s18 =	sadd.s32 $0xFFFFFFC0, s18  }
0x6e: {  	[tilespmem:s20+$0x3800] =	vst v19  }
0x6f: {  	v19 =	vld [tilespmem:s17+$0xFFFFFFD0];
	_ =	sdelay $0x1  }
0x70: {  	v20 =	vld [tilespmem:s17+$0xFFFFFFE0];
	_ =	sdelay $0x1  }
0x71: {  	v21 =	vld [tilespmem:s17+$0xFFFFFFF0]  }
0x72: {  	v22 =	vperm.xlane v19, v0;
	v19 =	vperm.xlane v19, v8  }
0x73: {  	v23 =	vld [tilespmem:s17+$0x0]  }
0x74: {  	v22 =	vmul.f32 v2, v22;
	v24 =	vperm.xlane v20, v0  }
0x75: {  	v19 =	vmul.f32 v2, v19;
	v20 =	vperm.xlane v20, v8  }
0x76: {  	v22 =	vadd.f32 $0.0e+00, v22;
	v24 =	vmul.f32 v3, v24;
	v25 =	vperm.xlane v21, v0  }
0x77: {  	v19 =	vadd.f32 $0.0e+00, v19;
	v20 =	vmul.f32 v3, v20;
	v21 =	vperm.xlane v21, v8  }
0x78: {  	v22 =	vadd.f32 v24, v22;
	v24 =	vmul.f32 v4, v25;
	v25 =	vperm.xlane v23, v0  }
0x79: {  	v19 =	vadd.f32 v20, v19;
	v20 =	vmul.f32 v4, v21;
	v21 =	vperm.xlane v23, v8  }
0x7a: {  	v22 =	vadd.f32 v24, v22;
	v23 =	vmul.f32 v5, v25  }
0x7b: {  	v19 =	vadd.f32 v20, v19  }
0x7c: {  	v20 =	vadd.f32 v23, v22;
	_ =	sdelay $0x1  }
0x7d: {  	v20 =	vmul.f32 $-3.906250000e-03, v20;
	_ =	sdelay $0x1  }
0x7e: {  	v20 =	vmul.f32 $1.442695020e+00, v20;
	_ =	sdelay $0x1  }
0x7f: {  	(erf) = vpow2.f32 v20;
	_ =	sdelay $0x3  }
0x80: {  	v20 =	vmul.f32 v5, v21;
	_ =	sdelay $0x1  }
0x81: {  	v19 =	vadd.f32 v20, v19;
	_ =	sdelay $0x1  }
0x82: {  	v20 =	vsub.f32 $1.000000000e+00, v19  }
0x83: {  	v21 =	vpop (erf)  }
0x84: {  	v22 =	vmul.f32 v20, v21;
	v23 =	vmul.f32 v19, v21;
	_ =	sdelay $0x1  }
0x85: {  	v24 =	vperm.xlane v22, v9;
	v25 =	vperm.xlane v23, v9;
	_ =	sdelay $0x1  }
0x86: {  	v24 =	vmul.f32 v6, v24;
	v25 =	vmul.f32 v6, v25;
	_ =	sdelay $0x1  }
0x87: {  	v24 =	vadd.f32 v22, v24;
	v25 =	vadd.f32 v25, v23;
	_ =	sdelay $0x1  }
0x88: {  	v26 =	vperm.xlane v24, v10;
	v27 =	vperm.xlane v25, v10;
	_ =	sdelay $0x1  }
0x89: {  	v26 =	vmul.f32 v7, v26;
	v27 =	vmul.f32 v7, v27;
	_ =	sdelay $0x1  }
0x8a: {  	v24 =	vadd.f32 v24, v26;
	v25 =	vadd.f32 v27, v25;
	_ =	sdelay $0x1  }
0x8b: {  	v26 =	vperm.xlane v24, v11;
	v27 =	vperm.xlane v25, v11;
	_ =	sdelay $0x1  }
0x8c: {  	v26 =	vmul.f32 v12, v26;
	v27 =	vmul.f32 v12, v27;
	_ =	sdelay $0x1  }
0x8d: {  	v24 =	vadd.f32 v24, v26;
	v25 =	vadd.f32 v27, v25  }
0x8e: {  	(erf) = vrcp.f32 v21  }
0x8f: {  	v21 =	vperm.xlane v24, v13;
	v26 =	vperm.xlane v25, v13;
	_ =	sdelay $0x1  }
0x90: {  	v21 =	vmul.f32 v14, v21;
	v26 =	vmul.f32 v14, v26;
	_ =	sdelay $0x1  }
0x91: {  	v21 =	vadd.f32 v24, v21;
	v24 =	vadd.f32 v26, v25;
	_ =	sdelay $0x1  }
0x92: {  	v22 =	vsub.f32 v21, v22;
	v23 =	vsub.f32 v24, v23;
	v21 =	vperm.xlane v21, v16  }
0x93: {  	v24 =	vperm.xlane v24, v16  }
0x94: {  	v22 =	vadd.f32 v22, v17;
	v23 =	vadd.f32 v23, v18;
	v25 =	vpop (erf)  }
0x95: {  	v17 =	vadd.f32 v21, v17;
	v18 =	vadd.f32 v24, v18  }
0x96: {  	v21 =	vmul.f32 v22, v25;
	v22 =	vmul.f32 v23, v25;
	_ =	sdelay $0x1  }
0x97: {  	p1 =	seq.s32 s19, $0x0;
	s20 =	simm.f32 $1.000000000e+00;
	v21 =	vadd.f32 v21, v20;
	v22 =	vadd.f32 v22, v19  }
0x98: {  	s20 =	simm.s32 @!p1 $0x0  }
0x99: {  	v23 =	vmul.f32 s20, v15;
	v24 =	vsub.f32 v20, v21;
	v25 =	vsub.f32 v19, v22;
	_ =	sdelay $0x1  }
0x9a: {  	v24 =	vmul.f32 v24, v23;
	v23 =	vmul.f32 v25, v23;
	_ =	sdelay $0x1  }
0x9b: {  	v21 =	vadd.f32 v24, v21;
	v22 =	vadd.f32 v23, v22;
	_ =	sdelay $0x1  }
0x9c: {  	v21 =	vsub.f32 $0.0e+00, v21;
	v22 =	vsub.f32 $0.0e+00, v22;
	_ =	sdelay $0x1  }
0x9d: {  	v21 =	vmul.f32 $1.442695020e+00, v21;
	v22 =	vmul.f32 $1.442695020e+00, v22;
	_ =	sdelay $0x1  }
0x9e: {  	(erf) = vpow2.f32 v21  }
0x9f: {  	(erf) = vpow2.f32 v22;
	_ =	sdelay $0x7  }
0xa0: {  	v21 =	vpop (erf)  }
0xa1: {  	v22 =	vmul.f32 $5.110000000e+02, v21;
	v23 =	vpop (erf)  }
0xa2: {  	v24 =	vmul.f32 $5.110000000e+02, v23  }
0xa3: {  	v22 =	vadd.f32 $1.000000000e+00, v22  }
0xa4: {  	v24 =	vadd.f32 $1.000000000e+00, v24  }
0xa5: {  	(erf) = vrcp.f32 v22  }
0xa6: {  	(erf) = vrcp.f32 v24;
	_ =	sdelay $0x7  }
.Ltmp1:
0xa7: {  	v22 =	vpop (erf);
	(pc) =	sbr.rel @p0 .LBB2_3-.Ltmp1, $4  }
0xa8: {  	v20 =	vmul.f32 v22, v20;
	v22 =	vpop (erf)  }
0xa9: {  	s20 =	sshra.s32 s19, $0x2;
	v19 =	vmul.f32 v22, v19  }
0xaa: {  	[tilespmem:s20+$0x2000] =	vst v20;
	v20 =	vmul.f32 v20, v21  }
0xab: {  	[tilespmem:s20+$0x3000] =	vst v19;
	v19 =	vmul.f32 v19, v23  }
0xac: {  	[tilespmem:s20+$0x2800] =	vst v20  }
0xad: {  	[tilespmem:s20+$0x3800] =	vst v19  }
0xae: {  	[hbm4b:s3+s9] =	stream.strided.scatter [tilespmem:s12], [sflag:$0x1], $0x800, s10, s9, $0x38;
	[tilespmem:$0x4000] =	vst v63  }
0xaf: {  	_ =	swait.ge [sflag:s11], $0x800  }
0xb0: {  	[sflag:s11] =	ssyncset.done $0x0  }
0xb1: {  	[sflag:s11] =	ssyncadd.s32 $0xFFFFF800  }
0xb2: {  	[hbm4b:s4+s9] =	stream.strided.scatter [tilespmem:s13], [sflag:$0x1], $0x800, s10, s9, $0x38;
	[tilespmem:$0x4000] =	vst v63  }
0xb3: {  	_ =	swait.ge [sflag:s11], $0x800  }
0xb4: {  	[sflag:s11] =	ssyncset.done $0x0  }
0xb5: {  	[sflag:s11] =	ssyncadd.s32 $0xFFFFF800  }
0xb6: {  	[hbm4b:s5+s9] =	stream.strided.scatter [tilespmem:s14], [sflag:$0x1], $0x800, s10, s9, $0x38;
	[tilespmem:$0x4000] =	vst v63  }
0xb7: {  	s16 =	sadd.s32 $0x1, s16;
	_ =	swait.ge [sflag:s11], $0x800  }
0xb8: {  	p0 =	sne.s32 s16, s8;
	[sflag:s11] =	ssyncset.done $0x0  }
.Ltmp2:
0xb9: {  	[sflag:s11] =	ssyncadd.s32 $0xFFFFF800;
	(pc) =	sbr.rel @p0 .LBB2_2-.Ltmp2, $4  }
0xba: {  	[hbm4b:s6+s9] =	stream.strided.scatter [tilespmem:s15], [sflag:$0x1], $0x800, s10, s9, $0x38;
	[tilespmem:$0x4000] =	vst v63  }
0xbb: {  	_ =	swait.ge [sflag:s11], $0x800  }
0xbc: {  	[sflag:s11] =	ssyncset.done $0x0  }
0xbd: {  	[sflag:s11] =	ssyncadd.s32 $0xFFFFF800  }
.LBB2_5:
0xbe: {  	_ =	sfence.sel $0x180000  }
0xbf: {  	[bflag:$0x0] =	sbarrier.arrive $0xFFFF  }
0xc0: {  	p0 =	sne.s32 s1, $0x0;
	_ =	strace $0x90000047  }
0xc1: {  	s0 =	sadd.s32 @!p0 $0x100000, s0;
	[bflag:$0x2] =	sbarrier.arrive $0xFFFF  }
0xc2: {  	[sflag:s0] =	ssyncadd.tile.s32 @!p0 $0x1;
	_ =	shalt  }
.Lfunc_end2:
_tile_overlayer_lowered:
.L_overlay_start_2:
0xc3: {  	(tag) =	ssettag $0x2  }
0xc4: {  	s0 =	rddreg [dreg:$0x0];
	s2 =	stileid.u32  }
0xc5: {  	s1 =	rddreg [dreg:$0x1];
	p0 =	sne.s32 s2, $0x0  }
0xc6: {  	s3 =	rddreg [dreg:$0x2];
	[bflag:$0x3] =	sbarrier.arrive $0xFFFF;
	s2 =	simm.s32 @!p0 $0x1C01  }
0xc7: {  	[timem:s3], [sflag:s2] =	dma.local @!p0 [hbm:s0], s1  }
0xc8: {  	s0 =	simm.s32 @!p0 $0x1  }
0xc9: {  	_ =	swait.ge @!p0 [sflag:s0], s1  }
0xca: {  	s1 =	ssub.s32 @!p0 $0x0, s1;
	[sflag:s0] =	ssyncset.done @!p0 $0x0  }
0xcb: {  	[sflag:s0] =	ssyncadd.s32 @!p0 s1  }
0xcc: {  	[bflag:$0x3] =	sbarrier.arrive $0xFFFF  }
0xcd: {  	_ =	shalt  }

</sc_bundles>
